<compile_context>
chip_gen: v7x
topology: tpu7x:2x2x1
jax: 0.10.2.dev20260603
libtpu: 0.0.44.dev20260713+nightly
codegen_flags: <defaults>
</compile_context>

<pallas_src>
import jax
import jax.numpy as jnp
from jax import lax
from jax.experimental import pallas as pl
from jax.experimental.pallas import tpu as pltpu
from jax.experimental.pallas import tpu_sc as plsc

GAMMA = 12.0
EMB_RANGE = 0.21875
PI = 3.141592653589793
PHASE_SCALE = PI / EMB_RANGE

B = 4096
D = 64
ED = 128
NREL = 1000
NREL_PAD = 1024
NC, NS = 2, 16
NW = NC * NS
BPW = B // NW
VL = 16


def _phase_table_body(r_ref, o_ref):
    ph = r_ref[...] * PHASE_SCALE
    o_ref[pl.ds(0, NREL), pl.ds(0, D)] = jnp.cos(ph)
    o_ref[pl.ds(0, NREL), pl.ds(D, D)] = jnp.sin(ph)


def _gather_body(ent_hbm, cs_hbm, hidx_hbm, tidx_hbm, ridx_hbm, sq_hbm,
                 hidx_v, tidx_v, ridx_v, hbuf, tbuf, rbuf, sqbuf,
                 s1, s2, s3, s4):
    wid = lax.axis_index("s") * NC + lax.axis_index("c")
    base = wid * BPW
    pltpu.sync_copy(hidx_hbm.at[pl.ds(base, BPW)], hidx_v)
    pltpu.sync_copy(tidx_hbm.at[pl.ds(base, BPW)], tidx_v)
    pltpu.sync_copy(ridx_hbm.at[pl.ds(base, BPW)], ridx_v)
    gh = pltpu.async_copy(ent_hbm.at[hidx_v], hbuf, s1)
    gt = pltpu.async_copy(ent_hbm.at[tidx_v], tbuf, s2)
    gr = pltpu.async_copy(cs_hbm.at[ridx_v], rbuf, s3)
    gh.wait()
    gt.wait()
    gr.wait()

    iota = lax.iota(jnp.int32, VL)
    jrows = [j * VL + iota for j in range(D // VL)]
    zero = iota * 0

    @plsc.parallel_loop(0, BPW, unroll=8)
    def sample_body(i):
        col = zero + i
        for j in range(D // VL):
            h_re = hbuf[i, pl.ds(j * VL, VL)]
            h_im = hbuf[i, pl.ds(D + j * VL, VL)]
            t_re = tbuf[i, pl.ds(j * VL, VL)]
            t_im = tbuf[i, pl.ds(D + j * VL, VL)]
            c_re = rbuf[i, pl.ds(j * VL, VL)]
            c_im = rbuf[i, pl.ds(D + j * VL, VL)]
            re_s = h_re * c_re - h_im * c_im - t_re
            im_s = h_re * c_im + h_im * c_re - t_im
            plsc.store_scatter(sqbuf, [jrows[j], col],
                               re_s * re_s + im_s * im_s)
    wq = pltpu.async_copy(sqbuf, sq_hbm.at[pl.ds(wid * D, D)], s4)
    wq.wait()


def _score_body(q_ref, o_ref):
    mag = jnp.sqrt(q_ref[...])
    nw = o_ref.shape[0]
    s = jnp.sum(mag.reshape(nw, D, ED), axis=1)
    o_ref[...] = GAMMA - s


def kernel(sample, entity_embedding, relation_embedding):
    sample = sample.astype(jnp.int32)
    hidx = sample[:, 0]
    tidx = sample[:, 2]
    ridx = sample[:, 1]
    f32 = jnp.float32

    cossin = pl.pallas_call(
        _phase_table_body,
        out_shape=jax.ShapeDtypeStruct((NREL_PAD, ED), f32),
    )(relation_embedding)

    mesh = plsc.VectorSubcoreMesh(core_axis_name="c", subcore_axis_name="s")
    gather = pl.kernel(
        _gather_body,
        out_type=jax.ShapeDtypeStruct((NW * D, ED), f32),
        mesh=mesh,
        compiler_params=pltpu.CompilerParams(needs_layout_passes=False),
        scratch_types=[
            pltpu.VMEM((BPW,), jnp.int32),
            pltpu.VMEM((BPW,), jnp.int32),
            pltpu.VMEM((BPW,), jnp.int32),
            pltpu.VMEM((BPW, ED), f32),
            pltpu.VMEM((BPW, ED), f32),
            pltpu.VMEM((BPW, ED), f32),
            pltpu.VMEM((D, ED), f32),
            pltpu.SemaphoreType.DMA,
            pltpu.SemaphoreType.DMA,
            pltpu.SemaphoreType.DMA,
            pltpu.SemaphoreType.DMA,
        ],
    )
    sq = gather(entity_embedding, cossin, hidx, tidx, ridx)

    nblk = 2
    blk = NW * D // nblk
    score = pl.pallas_call(
        _score_body,
        out_shape=jax.ShapeDtypeStruct((B // ED, ED), f32),
        grid=(nblk,),
        in_specs=[pl.BlockSpec((blk, ED), lambda i: (i, 0))],
        out_specs=pl.BlockSpec((blk // D, ED), lambda i: (i, 0)),
    )(sq)
    return score.reshape(B, 1)

# --- scband reference (transcript-rebuilt; emitter-appended) ---
"""Pipeline reference for scband-kgemodel-42855183679606 (READ-ONLY COPY).

The authoritative reference and input builder live on the scoring server;
editing this copy changes nothing except your own understanding.
"""

import jax, jax.numpy as jnp
import numpy as np

NENTITY = 100000
NRELATION = 1000
HIDDEN_DIM = 64
GAMMA = 12.0
EPSILON = 2.0
EMB_RANGE = (GAMMA + EPSILON) / HIDDEN_DIM  # 0.21875
ENTITY_DIM = HIDDEN_DIM * 2  # double_entity_embedding
RELATION_DIM = HIDDEN_DIM
BATCH = 4096


def setup_inputs(seed: int = 0) -> dict:
    key = jax.random.key(seed)
    k1, k2, k3 = jax.random.split(key, 3)
    sample = jax.random.randint(k1, (BATCH, 3), 0, NRELATION, dtype=jnp.int64 if jax.config.jax_enable_x64 else jnp.int32)
    entity_embedding = jax.random.uniform(k2, (NENTITY, ENTITY_DIM), dtype=jnp.float32, minval=-EMB_RANGE, maxval=EMB_RANGE)
    relation_embedding = jax.random.uniform(k3, (NRELATION, RELATION_DIM), dtype=jnp.float32, minval=-EMB_RANGE, maxval=EMB_RANGE)
    return {"sample": sample, "entity_embedding": entity_embedding, "relation_embedding": relation_embedding}


def reference(sample, entity_embedding, relation_embedding):
    pi = 3.141592653589793
    # single mode: gather head, relation, tail
    head = jnp.take(entity_embedding, sample[:, 0], axis=0)[:, None, :]      # [B, 1, 2*D]
    relation = jnp.take(relation_embedding, sample[:, 1], axis=0)[:, None, :]  # [B, 1, D]
    tail = jnp.take(entity_embedding, sample[:, 2], axis=0)[:, None, :]      # [B, 1, 2*D]

    re_head, im_head = jnp.split(head, 2, axis=2)
    re_tail, im_tail = jnp.split(tail, 2, axis=2)

    phase_relation = relation / (EMB_RANGE / pi)
    re_relation = jnp.cos(phase_relation)
    im_relation = jnp.sin(phase_relation)

    re_score = re_head * re_relation - im_head * im_relation
    im_score = re_head * im_relation + im_head * re_relation
    re_score = re_score - re_tail
    im_score = im_score - im_tail

    score = jnp.stack([re_score, im_score], axis=0)
    score = jnp.linalg.norm(score, axis=0)
    score = GAMMA - jnp.sum(score, axis=2)
    return score  # [B, 1]

if __name__ == "__main__":
    import jax
    _d = setup_inputs()
    print(jax.jit(kernel)(*tuple(_d.values())))

</pallas_src>

<mosaic_0001>
#map = affine_map<(d0, d1) -> (0, 0)>
#map1 = affine_map<(d0, d1) -> (0)>
module attributes {stable_mosaic.version = 14 : i64} {
  func.func @_gather_body(%arg0: i32, %arg1: i32, %arg2: memref<100000x128xf32, #tpu.memory_space<hbm>>, %arg3: memref<1024x128xf32, #tpu.memory_space<hbm>>, %arg4: memref<4096xi32, #tpu.memory_space<hbm>>, %arg5: memref<4096xi32, #tpu.memory_space<hbm>>, %arg6: memref<4096xi32, #tpu.memory_space<hbm>>, %arg7: memref<2048x128xf32, #tpu.memory_space<hbm>>, %arg8: memref<128xi32, #tpu.memory_space<vmem>>, %arg9: memref<128xi32, #tpu.memory_space<vmem>>, %arg10: memref<128xi32, #tpu.memory_space<vmem>>, %arg11: memref<128x128xf32, #tpu.memory_space<vmem>>, %arg12: memref<128x128xf32, #tpu.memory_space<vmem>>, %arg13: memref<128x128xf32, #tpu.memory_space<vmem>>, %arg14: memref<64x128xf32, #tpu.memory_space<vmem>>, %arg15: memref<!tpu.dma_semaphore, #tpu.memory_space<semaphore_mem>>, %arg16: memref<!tpu.dma_semaphore, #tpu.memory_space<semaphore_mem>>, %arg17: memref<!tpu.dma_semaphore, #tpu.memory_space<semaphore_mem>>, %arg18: memref<!tpu.dma_semaphore, #tpu.memory_space<semaphore_mem>>) attributes {dimension_semantics = [#tpu.dimension_semantics<core_parallel>, #tpu.dimension_semantics<subcore_parallel>], iteration_bounds = array<i64: 2, 16>, scalar_prefetch = 0 : i64, scratch_operands = 11 : i64, tpu.core_type = #tpu.core_type<sc_vector_subcore>, window_params = [{transform_indices = #map}, {transform_indices = #map}, {transform_indices = #map1}, {transform_indices = #map1}, {transform_indices = #map1}, {transform_indices = #map}]} {
    %mul3A = arith.constant 2 : i32
    %mul3A_0 = arith.muli %arg1, %mul3A : i32
    %add3A = arith.addi %mul3A_0, %arg0 : i32
    %mul3A_1 = arith.constant 128 : i32
    %mul3A_2 = arith.muli %add3A, %mul3A_1 : i32
    "tpu.region"() ({
      %run_scoped3A = tpu.sem_alloc : memref<!tpu.dma_semaphore, #tpu.memory_space<semaphore_mem>>
      %dma_start3A_46 = tpu.memref_slice %arg4[%mul3A_2] : memref<4096xi32, #tpu.memory_space<hbm>> -> memref<128xi32, #tpu.memory_space<hbm>>
      %dma_start3A_47 = tpu.memref_slice %arg4[%mul3A_2] : memref<4096xi32, #tpu.memory_space<hbm>> -> memref<128xi32, #tpu.memory_space<hbm>>
      tpu.enqueue_dma source(%dma_start3A_47 : memref<128xi32, #tpu.memory_space<hbm>>) target(%arg8 : memref<128xi32, #tpu.memory_space<vmem>>) target_semaphore(%run_scoped3A : memref<!tpu.dma_semaphore, #tpu.memory_space<semaphore_mem>>)
      %dma_wait3A_48 = tpu.memref_slice %arg4[%mul3A_2] : memref<4096xi32, #tpu.memory_space<hbm>> -> memref<128xi32, #tpu.memory_space<hbm>>
      %dma_wait3A_49 = tpu.memref_slice %arg4[%mul3A_2] : memref<4096xi32, #tpu.memory_space<hbm>> -> memref<128xi32, #tpu.memory_space<hbm>>
      tpu.wait_dma2 semaphore(%run_scoped3A : memref<!tpu.dma_semaphore, #tpu.memory_space<semaphore_mem>>) src(%dma_wait3A_49 : memref<128xi32, #tpu.memory_space<hbm>>) dst(%arg8 : memref<128xi32, #tpu.memory_space<vmem>>)
      tpu.yield
    }) : () -> ()
    "tpu.region"() ({
      %run_scoped3A = tpu.sem_alloc : memref<!tpu.dma_semaphore, #tpu.memory_space<semaphore_mem>>
      %dma_start3A_46 = tpu.memref_slice %arg5[%mul3A_2] : memref<4096xi32, #tpu.memory_space<hbm>> -> memref<128xi32, #tpu.memory_space<hbm>>
      %dma_start3A_47 = tpu.memref_slice %arg5[%mul3A_2] : memref<4096xi32, #tpu.memory_space<hbm>> -> memref<128xi32, #tpu.memory_space<hbm>>
      tpu.enqueue_dma source(%dma_start3A_47 : memref<128xi32, #tpu.memory_space<hbm>>) target(%arg9 : memref<128xi32, #tpu.memory_space<vmem>>) target_semaphore(%run_scoped3A : memref<!tpu.dma_semaphore, #tpu.memory_space<semaphore_mem>>)
      %dma_wait3A_48 = tpu.memref_slice %arg5[%mul3A_2] : memref<4096xi32, #tpu.memory_space<hbm>> -> memref<128xi32, #tpu.memory_space<hbm>>
      %dma_wait3A_49 = tpu.memref_slice %arg5[%mul3A_2] : memref<4096xi32, #tpu.memory_space<hbm>> -> memref<128xi32, #tpu.memory_space<hbm>>
      tpu.wait_dma2 semaphore(%run_scoped3A : memref<!tpu.dma_semaphore, #tpu.memory_space<semaphore_mem>>) src(%dma_wait3A_49 : memref<128xi32, #tpu.memory_space<hbm>>) dst(%arg9 : memref<128xi32, #tpu.memory_space<vmem>>)
      tpu.yield
    }) : () -> ()
    "tpu.region"() ({
      %run_scoped3A = tpu.sem_alloc : memref<!tpu.dma_semaphore, #tpu.memory_space<semaphore_mem>>
      %dma_start3A_46 = tpu.memref_slice %arg6[%mul3A_2] : memref<4096xi32, #tpu.memory_space<hbm>> -> memref<128xi32, #tpu.memory_space<hbm>>
      %dma_start3A_47 = tpu.memref_slice %arg6[%mul3A_2] : memref<4096xi32, #tpu.memory_space<hbm>> -> memref<128xi32, #tpu.memory_space<hbm>>
      tpu.enqueue_dma source(%dma_start3A_47 : memref<128xi32, #tpu.memory_space<hbm>>) target(%arg10 : memref<128xi32, #tpu.memory_space<vmem>>) target_semaphore(%run_scoped3A : memref<!tpu.dma_semaphore, #tpu.memory_space<semaphore_mem>>)
      %dma_wait3A_48 = tpu.memref_slice %arg6[%mul3A_2] : memref<4096xi32, #tpu.memory_space<hbm>> -> memref<128xi32, #tpu.memory_space<hbm>>
      %dma_wait3A_49 = tpu.memref_slice %arg6[%mul3A_2] : memref<4096xi32, #tpu.memory_space<hbm>> -> memref<128xi32, #tpu.memory_space<hbm>>
      tpu.wait_dma2 semaphore(%run_scoped3A : memref<!tpu.dma_semaphore, #tpu.memory_space<semaphore_mem>>) src(%dma_wait3A_49 : memref<128xi32, #tpu.memory_space<hbm>>) dst(%arg10 : memref<128xi32, #tpu.memory_space<vmem>>)
      tpu.yield
    }) : () -> ()
    %dma_start3A = arith.constant 0 : i32
    %dma_start3A_3 = arith.constant 0 : i32
    %dma_start3A_4 = tpu.memref_slice %arg2[%dma_start3A, %dma_start3A_3] : memref<100000x128xf32, #tpu.memory_space<hbm>> -> memref<100000x128xf32, #tpu.memory_space<hbm>>
    tpu.enqueue_indirect_dma source(%dma_start3A_4 : memref<100000x128xf32, #tpu.memory_space<hbm>>) target(%arg11 : memref<128x128xf32, #tpu.memory_space<vmem>>) offsets(%arg8 : memref<128xi32, #tpu.memory_space<vmem>>) semaphore(%arg15 : memref<!tpu.dma_semaphore, #tpu.memory_space<semaphore_mem>>)
    %dma_start3A_5 = arith.constant 0 : i32
    %dma_start3A_6 = arith.constant 0 : i32
    %dma_start3A_7 = tpu.memref_slice %arg2[%dma_start3A_5, %dma_start3A_6] : memref<100000x128xf32, #tpu.memory_space<hbm>> -> memref<100000x128xf32, #tpu.memory_space<hbm>>
    tpu.enqueue_indirect_dma source(%dma_start3A_7 : memref<100000x128xf32, #tpu.memory_space<hbm>>) target(%arg12 : memref<128x128xf32, #tpu.memory_space<vmem>>) offsets(%arg9 : memref<128xi32, #tpu.memory_space<vmem>>) semaphore(%arg16 : memref<!tpu.dma_semaphore, #tpu.memory_space<semaphore_mem>>)
    %dma_start3A_8 = arith.constant 0 : i32
    %dma_start3A_9 = arith.constant 0 : i32
    %dma_start3A_10 = tpu.memref_slice %arg3[%dma_start3A_8, %dma_start3A_9] : memref<1024x128xf32, #tpu.memory_space<hbm>> -> memref<1024x128xf32, #tpu.memory_space<hbm>>
    tpu.enqueue_indirect_dma source(%dma_start3A_10 : memref<1024x128xf32, #tpu.memory_space<hbm>>) target(%arg13 : memref<128x128xf32, #tpu.memory_space<vmem>>) offsets(%arg10 : memref<128xi32, #tpu.memory_space<vmem>>) semaphore(%arg17 : memref<!tpu.dma_semaphore, #tpu.memory_space<semaphore_mem>>)
    %dma_wait3A = arith.constant 0 : i32
    %dma_wait3A_11 = arith.constant 0 : i32
    %dma_wait3A_12 = tpu.memref_slice %arg2[%dma_wait3A, %dma_wait3A_11] : memref<100000x128xf32, #tpu.memory_space<hbm>> -> memref<100000x128xf32, #tpu.memory_space<hbm>>
    tpu.wait_indirect_dma semaphore(%arg15 : memref<!tpu.dma_semaphore, #tpu.memory_space<semaphore_mem>>) src(%dma_wait3A_12 : memref<100000x128xf32, #tpu.memory_space<hbm>>) dst(%arg11 : memref<128x128xf32, #tpu.memory_space<vmem>>)
    %dma_wait3A_13 = arith.constant 0 : i32
    %dma_wait3A_14 = arith.constant 0 : i32
    %dma_wait3A_15 = tpu.memref_slice %arg2[%dma_wait3A_13, %dma_wait3A_14] : memref<100000x128xf32, #tpu.memory_space<hbm>> -> memref<100000x128xf32, #tpu.memory_space<hbm>>
    tpu.wait_indirect_dma semaphore(%arg16 : memref<!tpu.dma_semaphore, #tpu.memory_space<semaphore_mem>>) src(%dma_wait3A_15 : memref<100000x128xf32, #tpu.memory_space<hbm>>) dst(%arg12 : memref<128x128xf32, #tpu.memory_space<vmem>>)
    %dma_wait3A_16 = arith.constant 0 : i32
    %dma_wait3A_17 = arith.constant 0 : i32
    %dma_wait3A_18 = tpu.memref_slice %arg3[%dma_wait3A_16, %dma_wait3A_17] : memref<1024x128xf32, #tpu.memory_space<hbm>> -> memref<1024x128xf32, #tpu.memory_space<hbm>>
    tpu.wait_indirect_dma semaphore(%arg17 : memref<!tpu.dma_semaphore, #tpu.memory_space<semaphore_mem>>) src(%dma_wait3A_18 : memref<1024x128xf32, #tpu.memory_space<hbm>>) dst(%arg13 : memref<128x128xf32, #tpu.memory_space<vmem>>)
    %iota3A = tpu.iota {dimensions = array<i32: 0>} : vector<16xi32>
    %add3A_19 = arith.constant 0 : i32
    %add3A_20 = vector.broadcast %add3A_19 : i32 to vector<16xi32>
    %add3A_21 = arith.addi %add3A_20, %iota3A : vector<16xi32>
    %add3A_22 = arith.constant 16 : i32
    %add3A_23 = vector.broadcast %add3A_22 : i32 to vector<16xi32>
    %add3A_24 = arith.addi %add3A_23, %iota3A : vector<16xi32>
    %add3A_25 = arith.constant 32 : i32
    %add3A_26 = vector.broadcast %add3A_25 : i32 to vector<16xi32>
    %add3A_27 = arith.addi %add3A_26, %iota3A : vector<16xi32>
    %add3A_28 = arith.constant 48 : i32
    %add3A_29 = vector.broadcast %add3A_28 : i32 to vector<16xi32>
    %add3A_30 = arith.addi %add3A_29, %iota3A : vector<16xi32>
    %mul3A_31 = arith.constant 0 : i32
    %mul3A_32 = vector.broadcast %mul3A_31 : i32 to vector<16xi32>
    %mul3A_33 = arith.muli %iota3A, %mul3A_32 : vector<16xi32>
    %parallel_loop3A = arith.constant 0 : i32
    %parallel_loop3A_34 = arith.constant 128 : i32
    %parallel_loop3A_35 = arith.constant 1 : i32
    scf.for %parallel_loop3A_46 = %parallel_loop3A to %parallel_loop3A_34 step %parallel_loop3A_35  : i32 {
      %parallel_loop3A_47 = vector.broadcast %parallel_loop3A_46 : i32 to vector<16xi32>
      %parallel_loop3A_48 = arith.addi %mul3A_33, %parallel_loop3A_47 : vector<16xi32>
      %parallel_loop3A_49 = arith.index_cast %parallel_loop3A_46 : i32 to index
      %parallel_loop3A_50 = arith.constant 0 : index
      %parallel_loop3A_51 = tpu.vector_load %arg11[%parallel_loop3A_49, %parallel_loop3A_50] {strides = array<i32>} : memref<128x128xf32, #tpu.memory_space<vmem>>, vector<16xf32>,
      %parallel_loop3A_52 = arith.index_cast %parallel_loop3A_46 : i32 to index
      %parallel_loop3A_53 = arith.constant 64 : index
      %parallel_loop3A_54 = tpu.vector_load %arg11[%parallel_loop3A_52, %parallel_loop3A_53] {strides = array<i32>} : memref<128x128xf32, #tpu.memory_space<vmem>>, vector<16xf32>,
      %parallel_loop3A_55 = arith.index_cast %parallel_loop3A_46 : i32 to index
      %parallel_loop3A_56 = arith.constant 0 : index
      %parallel_loop3A_57 = tpu.vector_load %arg12[%parallel_loop3A_55, %parallel_loop3A_56] {strides = array<i32>} : memref<128x128xf32, #tpu.memory_space<vmem>>, vector<16xf32>,
      %parallel_loop3A_58 = arith.index_cast %parallel_loop3A_46 : i32 to index
      %parallel_loop3A_59 = arith.constant 64 : index
      %parallel_loop3A_60 = tpu.vector_load %arg12[%parallel_loop3A_58, %parallel_loop3A_59] {strides = array<i32>} : memref<128x128xf32, #tpu.memory_space<vmem>>, vector<16xf32>,
      %parallel_loop3A_61 = arith.index_cast %parallel_loop3A_46 : i32 to index
      %parallel_loop3A_62 = arith.constant 0 : index
      %parallel_loop3A_63 = tpu.vector_load %arg13[%parallel_loop3A_61, %parallel_loop3A_62] {strides = array<i32>} : memref<128x128xf32, #tpu.memory_space<vmem>>, vector<16xf32>,
      %parallel_loop3A_64 = arith.index_cast %parallel_loop3A_46 : i32 to index
      %parallel_loop3A_65 = arith.constant 64 : index
      %parallel_loop3A_66 = tpu.vector_load %arg13[%parallel_loop3A_64, %parallel_loop3A_65] {strides = array<i32>} : memref<128x128xf32, #tpu.memory_space<vmem>>, vector<16xf32>,
      %parallel_loop3A_67 = arith.mulf %parallel_loop3A_51, %parallel_loop3A_63 : vector<16xf32>
      %parallel_loop3A_68 = arith.mulf %parallel_loop3A_54, %parallel_loop3A_66 : vector<16xf32>
      %parallel_loop3A_69 = arith.subf %parallel_loop3A_67, %parallel_loop3A_68 : vector<16xf32>
      %parallel_loop3A_70 = arith.subf %parallel_loop3A_69, %parallel_loop3A_57 : vector<16xf32>
      %parallel_loop3A_71 = arith.mulf %parallel_loop3A_51, %parallel_loop3A_66 : vector<16xf32>
      %parallel_loop3A_72 = arith.mulf %parallel_loop3A_54, %parallel_loop3A_63 : vector<16xf32>
      %parallel_loop3A_73 = arith.addf %parallel_loop3A_71, %parallel_loop3A_72 : vector<16xf32>
      %parallel_loop3A_74 = arith.subf %parallel_loop3A_73, %parallel_loop3A_60 : vector<16xf32>
      %parallel_loop3A_75 = arith.mulf %parallel_loop3A_70, %parallel_loop3A_70 : vector<16xf32>
      %parallel_loop3A_76 = arith.mulf %parallel_loop3A_74, %parallel_loop3A_74 : vector<16xf32>
      %parallel_loop3A_77 = arith.addf %parallel_loop3A_75, %parallel_loop3A_76 : vector<16xf32>
      tpu.vector_store_idx %arg14[%add3A_21, %parallel_loop3A_48], %parallel_loop3A_77 : memref<64x128xf32, #tpu.memory_space<vmem>>[vector<16xi32>, vector<16xi32>], vector<16xf32>,
      %parallel_loop3A_78 = arith.index_cast %parallel_loop3A_46 : i32 to index
      %parallel_loop3A_79 = arith.constant 16 : index
      %parallel_loop3A_80 = tpu.vector_load %arg11[%parallel_loop3A_78, %parallel_loop3A_79] {strides = array<i32>} : memref<128x128xf32, #tpu.memory_space<vmem>>, vector<16xf32>,
      %parallel_loop3A_81 = arith.index_cast %parallel_loop3A_46 : i32 to index
      %parallel_loop3A_82 = arith.constant 80 : index
      %parallel_loop3A_83 = tpu.vector_load %arg11[%parallel_loop3A_81, %parallel_loop3A_82] {strides = array<i32>} : memref<128x128xf32, #tpu.memory_space<vmem>>, vector<16xf32>,
      %parallel_loop3A_84 = arith.index_cast %parallel_loop3A_46 : i32 to index
      %parallel_loop3A_85 = arith.constant 16 : index
      %parallel_loop3A_86 = tpu.vector_load %arg12[%parallel_loop3A_84, %parallel_loop3A_85] {strides = array<i32>} : memref<128x128xf32, #tpu.memory_space<vmem>>, vector<16xf32>,
      %parallel_loop3A_87 = arith.index_cast %parallel_loop3A_46 : i32 to index
      %parallel_loop3A_88 = arith.constant 80 : index
      %parallel_loop3A_89 = tpu.vector_load %arg12[%parallel_loop3A_87, %parallel_loop3A_88] {strides = array<i32>} : memref<128x128xf32, #tpu.memory_space<vmem>>, vector<16xf32>,
      %parallel_loop3A_90 = arith.index_cast %parallel_loop3A_46 : i32 to index
      %parallel_loop3A_91 = arith.constant 16 : index
      %parallel_loop3A_92 = tpu.vector_load %arg13[%parallel_loop3A_90, %parallel_loop3A_91] {strides = array<i32>} : memref<128x128xf32, #tpu.memory_space<vmem>>, vector<16xf32>,
      %parallel_loop3A_93 = arith.index_cast %parallel_loop3A_46 : i32 to index
      %parallel_loop3A_94 = arith.constant 80 : index
      %parallel_loop3A_95 = tpu.vector_load %arg13[%parallel_loop3A_93, %parallel_loop3A_94] {strides = array<i32>} : memref<128x128xf32, #tpu.memory_space<vmem>>, vector<16xf32>,
      %parallel_loop3A_96 = arith.mulf %parallel_loop3A_80, %parallel_loop3A_92 : vector<16xf32>
      %parallel_loop3A_97 = arith.mulf %parallel_loop3A_83, %parallel_loop3A_95 : vector<16xf32>
      %parallel_loop3A_98 = arith.subf %parallel_loop3A_96, %parallel_loop3A_97 : vector<16xf32>
      %parallel_loop3A_99 = arith.subf %parallel_loop3A_98, %parallel_loop3A_86 : vector<16xf32>
      %parallel_loop3A_100 = arith.mulf %parallel_loop3A_80, %parallel_loop3A_95 : vector<16xf32>
      %parallel_loop3A_101 = arith.mulf %parallel_loop3A_83, %parallel_loop3A_92 : vector<16xf32>
      %parallel_loop3A_102 = arith.addf %parallel_loop3A_100, %parallel_loop3A_101 : vector<16xf32>
      %parallel_loop3A_103 = arith.subf %parallel_loop3A_102, %parallel_loop3A_89 : vector<16xf32>
      %parallel_loop3A_104 = arith.mulf %parallel_loop3A_99, %parallel_loop3A_99 : vector<16xf32>
      %parallel_loop3A_105 = arith.mulf %parallel_loop3A_103, %parallel_loop3A_103 : vector<16xf32>
      %parallel_loop3A_106 = arith.addf %parallel_loop3A_104, %parallel_loop3A_105 : vector<16xf32>
      tpu.vector_store_idx %arg14[%add3A_24, %parallel_loop3A_48], %parallel_loop3A_106 : memref<64x128xf32, #tpu.memory_space<vmem>>[vector<16xi32>, vector<16xi32>], vector<16xf32>,
      %parallel_loop3A_107 = arith.index_cast %parallel_loop3A_46 : i32 to index
      %parallel_loop3A_108 = arith.constant 32 : index
      %parallel_loop3A_109 = tpu.vector_load %arg11[%parallel_loop3A_107, %parallel_loop3A_108] {strides = array<i32>} : memref<128x128xf32, #tpu.memory_space<vmem>>, vector<16xf32>,
      %parallel_loop3A_110 = arith.index_cast %parallel_loop3A_46 : i32 to index
      %parallel_loop3A_111 = arith.constant 96 : index
      %parallel_loop3A_112 = tpu.vector_load %arg11[%parallel_loop3A_110, %parallel_loop3A_111] {strides = array<i32>} : memref<128x128xf32, #tpu.memory_space<vmem>>, vector<16xf32>,
      %parallel_loop3A_113 = arith.index_cast %parallel_loop3A_46 : i32 to index
      %parallel_loop3A_114 = arith.constant 32 : index
      %parallel_loop3A_115 = tpu.vector_load %arg12[%parallel_loop3A_113, %parallel_loop3A_114] {strides = array<i32>} : memref<128x128xf32, #tpu.memory_space<vmem>>, vector<16xf32>,
      %parallel_loop3A_116 = arith.index_cast %parallel_loop3A_46 : i32 to index
      %parallel_loop3A_117 = arith.constant 96 : index
      %parallel_loop3A_118 = tpu.vector_load %arg12[%parallel_loop3A_116, %parallel_loop3A_117] {strides = array<i32>} : memref<128x128xf32, #tpu.memory_space<vmem>>, vector<16xf32>,
      %parallel_loop3A_119 = arith.index_cast %parallel_loop3A_46 : i32 to index
      %parallel_loop3A_120 = arith.constant 32 : index
      %parallel_loop3A_121 = tpu.vector_load %arg13[%parallel_loop3A_119, %parallel_loop3A_120] {strides = array<i32>} : memref<128x128xf32, #tpu.memory_space<vmem>>, vector<16xf32>,
      %parallel_loop3A_122 = arith.index_cast %parallel_loop3A_46 : i32 to index
      %parallel_loop3A_123 = arith.constant 96 : index
      %parallel_loop3A_124 = tpu.vector_load %arg13[%parallel_loop3A_122, %parallel_loop3A_123] {strides = array<i32>} : memref<128x128xf32, #tpu.memory_space<vmem>>, vector<16xf32>,
      %parallel_loop3A_125 = arith.mulf %parallel_loop3A_109, %parallel_loop3A_121 : vector<16xf32>
      %parallel_loop3A_126 = arith.mulf %parallel_loop3A_112, %parallel_loop3A_124 : vector<16xf32>
      %parallel_loop3A_127 = arith.subf %parallel_loop3A_125, %parallel_loop3A_126 : vector<16xf32>
      %parallel_loop3A_128 = arith.subf %parallel_loop3A_127, %parallel_loop3A_115 : vector<16xf32>
      %parallel_loop3A_129 = arith.mulf %parallel_loop3A_109, %parallel_loop3A_124 : vector<16xf32>
      %parallel_loop3A_130 = arith.mulf %parallel_loop3A_112, %parallel_loop3A_121 : vector<16xf32>
      %parallel_loop3A_131 = arith.addf %parallel_loop3A_129, %parallel_loop3A_130 : vector<16xf32>
      %parallel_loop3A_132 = arith.subf %parallel_loop3A_131, %parallel_loop3A_118 : vector<16xf32>
      %parallel_loop3A_133 = arith.mulf %parallel_loop3A_128, %parallel_loop3A_128 : vector<16xf32>
      %parallel_loop3A_134 = arith.mulf %parallel_loop3A_132, %parallel_loop3A_132 : vector<16xf32>
      %parallel_loop3A_135 = arith.addf %parallel_loop3A_133, %parallel_loop3A_134 : vector<16xf32>
      tpu.vector_store_idx %arg14[%add3A_27, %parallel_loop3A_48], %parallel_loop3A_135 : memref<64x128xf32, #tpu.memory_space<vmem>>[vector<16xi32>, vector<16xi32>], vector<16xf32>,
      %parallel_loop3A_136 = arith.index_cast %parallel_loop3A_46 : i32 to index
      %parallel_loop3A_137 = arith.constant 48 : index
      %parallel_loop3A_138 = tpu.vector_load %arg11[%parallel_loop3A_136, %parallel_loop3A_137] {strides = array<i32>} : memref<128x128xf32, #tpu.memory_space<vmem>>, vector<16xf32>,
      %parallel_loop3A_139 = arith.index_cast %parallel_loop3A_46 : i32 to index
      %parallel_loop3A_140 = arith.constant 112 : index
      %parallel_loop3A_141 = tpu.vector_load %arg11[%parallel_loop3A_139, %parallel_loop3A_140] {strides = array<i32>} : memref<128x128xf32, #tpu.memory_space<vmem>>, vector<16xf32>,
      %parallel_loop3A_142 = arith.index_cast %parallel_loop3A_46 : i32 to index
      %parallel_loop3A_143 = arith.constant 48 : index
      %parallel_loop3A_144 = tpu.vector_load %arg12[%parallel_loop3A_142, %parallel_loop3A_143] {strides = array<i32>} : memref<128x128xf32, #tpu.memory_space<vmem>>, vector<16xf32>,
      %parallel_loop3A_145 = arith.index_cast %parallel_loop3A_46 : i32 to index
      %parallel_loop3A_146 = arith.constant 112 : index
      %parallel_loop3A_147 = tpu.vector_load %arg12[%parallel_loop3A_145, %parallel_loop3A_146] {strides = array<i32>} : memref<128x128xf32, #tpu.memory_space<vmem>>, vector<16xf32>,
      %parallel_loop3A_148 = arith.index_cast %parallel_loop3A_46 : i32 to index
      %parallel_loop3A_149 = arith.constant 48 : index
      %parallel_loop3A_150 = tpu.vector_load %arg13[%parallel_loop3A_148, %parallel_loop3A_149] {strides = array<i32>} : memref<128x128xf32, #tpu.memory_space<vmem>>, vector<16xf32>,
      %parallel_loop3A_151 = arith.index_cast %parallel_loop3A_46 : i32 to index
      %parallel_loop3A_152 = arith.constant 112 : index
      %parallel_loop3A_153 = tpu.vector_load %arg13[%parallel_loop3A_151, %parallel_loop3A_152] {strides = array<i32>} : memref<128x128xf32, #tpu.memory_space<vmem>>, vector<16xf32>,
      %parallel_loop3A_154 = arith.mulf %parallel_loop3A_138, %parallel_loop3A_150 : vector<16xf32>
      %parallel_loop3A_155 = arith.mulf %parallel_loop3A_141, %parallel_loop3A_153 : vector<16xf32>
      %parallel_loop3A_156 = arith.subf %parallel_loop3A_154, %parallel_loop3A_155 : vector<16xf32>
      %parallel_loop3A_157 = arith.subf %parallel_loop3A_156, %parallel_loop3A_144 : vector<16xf32>
      %parallel_loop3A_158 = arith.mulf %parallel_loop3A_138, %parallel_loop3A_153 : vector<16xf32>
      %parallel_loop3A_159 = arith.mulf %parallel_loop3A_141, %parallel_loop3A_150 : vector<16xf32>
      %parallel_loop3A_160 = arith.addf %parallel_loop3A_158, %parallel_loop3A_159 : vector<16xf32>
      %parallel_loop3A_161 = arith.subf %parallel_loop3A_160, %parallel_loop3A_147 : vector<16xf32>
      %parallel_loop3A_162 = arith.mulf %parallel_loop3A_157, %parallel_loop3A_157 : vector<16xf32>
      %parallel_loop3A_163 = arith.mulf %parallel_loop3A_161, %parallel_loop3A_161 : vector<16xf32>
      %parallel_loop3A_164 = arith.addf %parallel_loop3A_162, %parallel_loop3A_163 : vector<16xf32>
      tpu.vector_store_idx %arg14[%add3A_30, %parallel_loop3A_48], %parallel_loop3A_164 : memref<64x128xf32, #tpu.memory_space<vmem>>[vector<16xi32>, vector<16xi32>], vector<16xf32>,
    } {sc.loop_unroll_factor = 8 : i64, sc.parallel_access}
    %mul3A_36 = arith.constant 64 : i32
    %mul3A_37 = arith.muli %add3A, %mul3A_36 : i32
    %dma_start3A_38 = arith.constant 0 : i32
    %dma_start3A_39 = tpu.memref_slice %arg7[%mul3A_37, %dma_start3A_38] : memref<2048x128xf32, #tpu.memory_space<hbm>> -> memref<64x128xf32, #tpu.memory_space<hbm>>
    %dma_start3A_40 = arith.constant 0 : i32
    %dma_start3A_41 = tpu.memref_slice %arg7[%mul3A_37, %dma_start3A_40] : memref<2048x128xf32, #tpu.memory_space<hbm>> -> memref<64x128xf32, #tpu.memory_space<hbm>>
    tpu.enqueue_dma source(%arg14 : memref<64x128xf32, #tpu.memory_space<vmem>>) target(%dma_start3A_41 : memref<64x128xf32, #tpu.memory_space<hbm>>) target_semaphore(%arg18 : memref<!tpu.dma_semaphore, #tpu.memory_space<semaphore_mem>>)
    %dma_wait3A_42 = arith.constant 0 : i32
    %dma_wait3A_43 = tpu.memref_slice %arg7[%mul3A_37, %dma_wait3A_42] : memref<2048x128xf32, #tpu.memory_space<hbm>> -> memref<64x128xf32, #tpu.memory_space<hbm>>
    %dma_wait3A_44 = arith.constant 0 : i32
    %dma_wait3A_45 = tpu.memref_slice %arg7[%mul3A_37, %dma_wait3A_44] : memref<2048x128xf32, #tpu.memory_space<hbm>> -> memref<64x128xf32, #tpu.memory_space<hbm>>
    tpu.wait_dma2 semaphore(%arg18 : memref<!tpu.dma_semaphore, #tpu.memory_space<semaphore_mem>>) src(%arg14 : memref<64x128xf32, #tpu.memory_space<vmem>>) dst(%dma_wait3A_45 : memref<64x128xf32, #tpu.memory_space<hbm>>)
    return
  }
}

module attributes {stable_mosaic.version = 14 : i64} {
  func.func @_phase_table_body(%arg0: memref<1000x64xf32, #tpu.memory_space<vmem>>, %arg1: memref<1024x128xf32, #tpu.memory_space<vmem>>) attributes {dimension_semantics = [], scalar_prefetch = 0 : i64, scratch_operands = 0 : i64, tpu.core_type = #tpu.core_type<tc>} {
    %get3A = arith.constant 0 : index
    %get3A_0 = arith.constant 0 : index
    %get3A_1 = vector.load %arg0[%get3A, %get3A_0] : memref<1000x64xf32, #tpu.memory_space<vmem>>, vector<1000x64xf32>
    %mul3A = arith.constant 14.3615665 : f32
    %mul3A_2 = vector.broadcast %mul3A : f32 to vector<1000x64xf32>
    %mul3A_3 = arith.mulf %get3A_1, %mul3A_2 : vector<1000x64xf32>
    %cos3A = math.cos %mul3A_3 : vector<1000x64xf32>
    %swap3A = arith.constant 0 : index
    %swap3A_4 = arith.constant 0 : index
    %swap3A_5 = vector.load %arg1[%swap3A, %swap3A_4] : memref<1024x128xf32, #tpu.memory_space<vmem>>, vector<1000x64xf32>
    tpu.vector_store %arg1[%swap3A, %swap3A_4], %cos3A {strides = array<i32>} : memref<1024x128xf32, #tpu.memory_space<vmem>>, vector<1000x64xf32>,
    %sin3A = math.sin %mul3A_3 : vector<1000x64xf32>
    %swap3A_6 = arith.constant 0 : index
    %swap3A_7 = arith.constant 64 : index
    %swap3A_8 = vector.load %arg1[%swap3A_6, %swap3A_7] : memref<1024x128xf32, #tpu.memory_space<vmem>>, vector<1000x64xf32>
    tpu.vector_store %arg1[%swap3A_6, %swap3A_7], %sin3A {strides = array<i32>} : memref<1024x128xf32, #tpu.memory_space<vmem>>, vector<1000x64xf32>,
    return
  }
}

module attributes {stable_mosaic.version = 14 : i64} {
  func.func @_score_body(%arg0: i32, %arg1: memref<1024x128xf32, #tpu.memory_space<vmem>>, %arg2: memref<16x128xf32, #tpu.memory_space<vmem>>) attributes {dimension_semantics = [#tpu.dimension_semantics<arbitrary>], iteration_bounds = array<i64: 2>, scalar_prefetch = 0 : i64, scratch_operands = 0 : i64, tpu.core_type = #tpu.core_type<tc>, window_params = [{transform_indices = @transform_0, window_bounds = array<i64: 1024, 128>}, {transform_indices = @transform_1, window_bounds = array<i64: 16, 128>}]} {
    %get3A = arith.constant 0 : index
    %get3A_0 = arith.constant 0 : index
    %get3A_1 = vector.load %arg1[%get3A, %get3A_0] : memref<1024x128xf32, #tpu.memory_space<vmem>>, vector<1024x128xf32>
    %sqrt3A = math.sqrt %get3A_1 : vector<1024x128xf32>
    %reshape3A = vector.shape_cast %sqrt3A : vector<1024x128xf32> to vector<16x64x128xf32>
    %reduce_sum3A = arith.constant dense<0.000000e+00> : vector<16x128xf32>
    %reduce_sum3A_2 = vector.multi_reduction <add>, %reshape3A, %reduce_sum3A [1] : vector<16x64x128xf32> to vector<16x128xf32>
    %sub3A = arith.constant 1.200000e+01 : f32
    %sub3A_3 = vector.broadcast %sub3A : f32 to vector<16x128xf32>
    %sub3A_4 = arith.subf %sub3A_3, %reduce_sum3A_2 : vector<16x128xf32>
    %swap3A = arith.constant 0 : index
    %swap3A_5 = arith.constant 0 : index
    %swap3A_6 = vector.load %arg2[%swap3A, %swap3A_5] : memref<16x128xf32, #tpu.memory_space<vmem>>, vector<16x128xf32>
    tpu.vector_store %arg2[%swap3A, %swap3A_5], %sub3A_4 {strides = array<i32>} : memref<16x128xf32, #tpu.memory_space<vmem>>, vector<16x128xf32>,
    return
  }
  func.func @transform_0(%arg0: i32) -> (i32, i32) {
    %c0_i32 = arith.constant 0 : i32
    %c0_i32_0 = arith.constant 0 : i32
    return %arg0, %c0_i32 : i32, i32
  }
  func.func @transform_1(%arg0: i32) -> (i32, i32) {
    %c0_i32 = arith.constant 0 : i32
    %c0_i32_0 = arith.constant 0 : i32
    return %arg0, %c0_i32 : i32, i32
  }
}

</mosaic_0001>

<sc_bundles>
// kernel: kernel.5.cloned.1.call-start
scs
__scs_entry_jumppad:
0x0: {  	(pc) =	sbr.rel $0x88, $3  }
0x1: {  	(tag) =	ssettag $0x0;
	lr =	simm.s32 $0x1  }
0x2: {  	[smem:$0x3F9E] =	sst lr;
	_ =	strace $0xD0000000  }
0x3: {  	_ = 	snop  }
0x4: {  	_ = 	snop  }
0x5: {  	_ = 	snop  }
0x6: {  	_ = 	snop  }
0x7: {  	_ = 	snop  }
__scs_overlays_trampoline_lowered:
0x8: {  	[smem:$0x3FAD] =	sst s0  }
0x9: {  	[smem:$0x3FAE] =	sst s1  }
0xa: {  	[smem:$0x3FAF] =	sst s2  }
0xb: {  	[smem:$0x3FB0] =	sst s3  }
0xc: {  	[smem:$0x3FB1] =	sst s4  }
0xd: {  	[smem:$0x3FB2] =	sst s5  }
0xe: {  	[smem:$0x3FB3] =	sst s6  }
0xf: {  	[smem:$0x3FB4] =	sst s7  }
0x10: {  	[smem:$0x3FB5] =	sst s8  }
0x11: {  	[smem:$0x3FB6] =	sst s9;
	s0 =	simm.s32 @!p0 $0x0  }
0x12: {  	s1 =	sld [smem:$0x3F9C];
	s0 =	simm.s32 @p0 $0x1  }
0x13: {  	[smem:$0x3FB7] =	sst s0;
	s0 =	simm.s32 @!p1 $0x0  }
0x14: {  	s2 =	sld [smem:$0x3F9B];
	s0 =	simm.s32 @p1 $0x1  }
0x15: {  	[smem:$0x3FB8] =	sst s0;
	s0 =	simm.s32 @!p2 $0x0  }
0x16: {  	s3 =	sld [smem:$0x3FDB];
	s0 =	simm.s32 @p2 $0x1  }
0x17: {  	s4 =	simm.s32 $0x1BF5;
	[smem:$0x3FBA] =	sst s0  }
0x18: {  	s0 =	sld [smem:$0x3F9D];
	_ =	swait.ge [sflag:s4], $0x0  }
0x19: {  	s7 =	sld [smem:$0x3F9E]  }
0x1a: {  	s8 =	sadd.s32 $0xFFFFE003, lr  }
0x1b: {  	s9 =	sadd.s32 $0xFFFFFEF7, lr;
	s5 =	simm.s32 $0xFFFFFFFF;
	p2 =	slt.u32 s8, $0xFFFFF086  }
0x1c: {  	p1 =	slt.u32 s9, $0xF7A;
	s5 =	simm.s32 @!p2 $0x0  }
0x1d: {  	s5 =	simm.s32 @p1 $0x1;
	p0 =	seq.s32 s7, s2  }
0x1e: {  	s7 =	smul.u32 @!p0 $0xF7A, s2;
	p2 =	seq.s32 @!p0 s5, $0x0  }
0x1f: {  	s9 =	smul.u32 $0xF7A, s1;
	s8 =	simm.s32 @!p0 $0x1BF5;
	p2 =	por !p2, p0  }
0x20: {  	[sflag:s8] =	ssyncset.s32 @!p0 $0xFFFFF086;
	s6 =	sadd.s32 @!p0 s3, s7;
	s7 =	simm.s32 @!p0 $0x108  }
0x21: {  	s3 =	sadd.s32 s3, s9;
	s6 =	sadd.s32 @!p0 $0x88, s6;
	s7 =	simm.s32 @p2 $0x1082  }
0x22: {  	[simem:s7], [sflag:s8] =	dma.local @!p0 [hbm:s6], $0xF7A  }
0x23: {  	s9 =	sor.u32 $0xD0000000, s2;
	s6 =	simm.s32 $0x108;
	_ =	swait.ge @!p0 [sflag:s8], $0x0  }
0x24: {  	s3 =	sadd.s32 $0x88, s3;
	s6 =	simm.s32 @!p1 $0x1082;
	[sflag:s4] =	ssyncset.s32 $0xFFFFF086  }
0x25: {  	[simem:s6], [sflag:s4] =	dma.local [hbm:s3], $0xF7A  }
0x26: {  	[smem:$0x3F9E] =	sst s1;
	(tag) =	ssettag s2;
	_ =	strace s9  }
0x27: {  	s1 =	sld [smem:$0x3FAE]  }
0x28: {  	s2 =	sld [smem:$0x3FAF]  }
0x29: {  	s4 =	sld [smem:$0x3FB1]  }
0x2a: {  	p0 =	seq.s32 s5, $0x0;
	s5 =	sld [smem:$0x3FB2]  }
0x2b: {  	s6 =	sld [smem:$0x3FB3]  }
0x2c: {  	s7 =	sld [smem:$0x3FB4]  }
0x2d: {  	s3 =	simm.s32 $0x108;
	s8 =	sld [smem:$0x3FB5]  }
0x2e: {  	s3 =	simm.s32 @!p0 $0x1082;
	s9 =	sld [smem:$0x3FB6]  }
0x2f: {  	lr =	sadd.s32 s0, s3;
	s0 =	sld [smem:$0x3FAD]  }
0x30: {  	s3 =	sld [smem:$0x3FB0]  }
0x31: {  	[smem:$0x3FB9] =	sst s10  }
0x32: {  	s10 =	sld [smem:$0x3FB7];
	_ =	sdelay $0x3  }
0x33: {  	p0 =	seq.s32 s10, $0x1;
	s10 =	sld [smem:$0x3FB9];
	_ =	sdelay $0x3  }
0x34: {  	[smem:$0x3FB9] =	sst s10  }
0x35: {  	s10 =	sld [smem:$0x3FB8];
	_ =	sdelay $0x3  }
0x36: {  	p1 =	seq.s32 s10, $0x1;
	s10 =	sld [smem:$0x3FB9];
	_ =	sdelay $0x3  }
0x37: {  	[smem:$0x3FB9] =	sst s10  }
0x38: {  	s10 =	sld [smem:$0x3FBA]  }
0x39: {  	_ = 	snop;
	(pc) =	sbr.ind lr, $3  }
0x3a: {  	_ = 	snop  }
0x3b: {  	_ = 	snop  }
0x3c: {  	p2 =	seq.s32 s10, $0x1;
	s10 =	sld [smem:$0x3FB9]  }
0x3d: {  	_ =	shalt  }
0x3e: {  	_ =	shalt  }
0x3f: {  	_ =	shalt  }
0x40: {  	_ =	shalt  }
0x41: {  	_ =	shalt  }
0x42: {  	_ =	shalt  }
0x43: {  	_ =	shalt  }
0x44: {  	_ =	shalt  }
0x45: {  	_ =	shalt  }
0x46: {  	_ =	shalt  }
0x47: {  	_ =	shalt  }
0x48: {  	_ =	shalt  }
0x49: {  	_ =	shalt  }
0x4a: {  	_ =	shalt  }
0x4b: {  	_ =	shalt  }
0x4c: {  	_ =	shalt  }
0x4d: {  	_ =	shalt  }
0x4e: {  	_ =	shalt  }
0x4f: {  	_ =	shalt  }
0x50: {  	_ =	shalt  }
0x51: {  	_ =	shalt  }
0x52: {  	_ =	shalt  }
0x53: {  	_ =	shalt  }
0x54: {  	_ =	shalt  }
0x55: {  	_ =	shalt  }
0x56: {  	_ =	shalt  }
0x57: {  	_ =	shalt  }
0x58: {  	_ =	shalt  }
0x59: {  	_ =	shalt  }
0x5a: {  	_ =	shalt  }
0x5b: {  	_ =	shalt  }
0x5c: {  	_ =	shalt  }
0x5d: {  	_ =	shalt  }
0x5e: {  	_ =	shalt  }
0x5f: {  	_ =	shalt  }
0x60: {  	_ =	shalt  }
0x61: {  	_ =	shalt  }
0x62: {  	_ =	shalt  }
0x63: {  	_ =	shalt  }
0x64: {  	_ =	shalt  }
0x65: {  	_ =	shalt  }
0x66: {  	_ =	shalt  }
0x67: {  	_ =	shalt  }
0x68: {  	_ =	shalt  }
0x69: {  	_ =	shalt  }
0x6a: {  	_ =	shalt  }
0x6b: {  	_ =	shalt  }
0x6c: {  	_ =	shalt  }
0x6d: {  	_ =	shalt  }
0x6e: {  	_ =	shalt  }
0x6f: {  	_ =	shalt  }
0x70: {  	_ =	shalt  }
0x71: {  	_ =	shalt  }
0x72: {  	_ =	shalt  }
0x73: {  	_ =	shalt  }
0x74: {  	_ =	shalt  }
0x75: {  	_ =	shalt  }
0x76: {  	_ =	shalt  }
0x77: {  	_ =	shalt  }
0x78: {  	_ =	shalt  }
0x79: {  	_ =	shalt  }
0x7a: {  	_ =	shalt  }
0x7b: {  	_ =	shalt  }
0x7c: {  	_ =	shalt  }
0x7d: {  	_ =	shalt  }
0x7e: {  	_ =	shalt  }
0x7f: {  	_ =	shalt  }
0x80: {  	_ =	shalt  }
0x81: {  	_ =	shalt  }
0x82: {  	_ =	shalt  }
0x83: {  	_ =	shalt  }
0x84: {  	_ =	shalt  }
0x85: {  	_ =	shalt  }
0x86: {  	_ =	shalt  }
0x87: {  	_ =	shalt  }
.Lfunc_end0:
.L_simem_size_0:
called_computation_lowered:
.L_overlay_start_0:
0x88: {  	s2 =	sld [smem:$0x3FD9]  }
0x89: {  	s3 =	sld [smem:$0x3FFE];
	_ =	sdelay $0x1  }
0x8a: {  	s1 =	srdreg.scid  }
0x8b: {  	s0 =	sand.u32 $0x1, s1  }
0x8c: {  	s17 =	sshll.u32 s0, $0xA;
	s2 =	sadd.s32 s3, s2  }
0x8d: {  	s2 =	sadd.s32 s2, s17  }
0x8e: {  	[smem:$0x3FC5] =	sst s2  }
0x8f: {  	_ = 	snop  }
0x90: {  	s2 =	sld [smem:$0x3FC8]  }
0x91: {  	s18 =	sld [smem:$0x3FD0];
	(tm) =	ssettm $0x1  }
0x92: {  	s4 =	sld [smem:$0x3FFB];
	_ =	sdelay $0x3  }
0x93: {  	_ =	strace s4  }
0x94: {  	s4 =	sld [smem:$0x3FFC];
	_ =	sdelay $0x3  }
0x95: {  	_ =	strace s4  }
0x96: {  	s4 =	sld [smem:$0x3FFD];
	_ =	sdelay $0x3  }
0x97: {  	_ =	strace s4  }
0x98: {  	_ =	strace $0x8FFFFFFF  }
0x99: {  	s19 =	sld [smem:$0x3FDB];
	_ =	sdelay $0x1  }
0x9a: {  	s5 =	simm.s32 $_scs_section_size  }
0x9b: {  	s6 =	simm.s32 $_size__tile_overlayer_lowered;
	s7 =	simm.s32 $_tile_overlayer_lowered  }
0x9c: {  	s22 =	simm.s32 $0x1BFF;
	s21 =	sshll.u32 s7, $0x1;
	s4 =	sadd.s32 s5, s19  }
0x9d: {  	s8 =	simm.s32 $0x0;
	s20 =	sshll.u32 s6, $0x1;
	s6 =	sadd.s32 s21, s4  }
0x9e: {  	[timem:s8], [sflag:s22] =	dma.local [hbm:s6], s20  }
0x9f: {  	_ =	swait.ge [sflag:s22], s20  }
0xa0: {  	s5 =	ssub.s32 $0x0, s20;
	[sflag:s22] =	ssyncset.done $0x0  }
0xa1: {  	[sflag:s22] =	ssyncadd.s32 s5;
	_ =	sdelay $0x1  }
0xa2: {  	s23 =	simm.s32 $0x1B8B  }
0xa3: {  	_ =	swait.ge [sflag:s23], $0x1  }
0xa4: {  	[sflag:s23] =	ssyncset.done $0x0  }
0xa5: {  	s25 =	simm.s32 $0x1B8E;
	s24 =	sld [smem:$0x3FFE];
	[sflag:s23] =	ssyncadd.s32 $0xFFFFFFFF  }
0xa6: {  	s26 =	simm.s32 $execute0_lowered;
	[smem:$0x3FD2] =	sst s25  }
0xa7: {  	s6 =	sshll.u32 s26, $0x1;
	_ =	strace $0x80000046;
	[dreg:$0x1] =	wrdreg $0xFFFFFFFF  }
0xa8: {  	s28 =	simm.s32 $_size_execute0_lowered;
	s4 =	sadd.s32 s4, s6;
	[dreg:$0x0] =	wrdreg $0x0  }
0xa9: {  	s6 =	sshll.u32 s28, $0x1;
	[dreg:$0x2] =	wrdreg s4  }
0xaa: {  	[dreg:$0x3] =	wrdreg s6  }
0xab: {  	[dreg:$0x4] =	wrdreg $0xC0  }
0xac: {  	_ =	task [dreg:s8], $0x5FFFF  }
0xad: {  	[dreg:$0x1] =	wrdreg $0xFFFFFFFF  }
0xae: {  	[dreg:$0x0] =	wrdreg $0x60  }
0xaf: {  	[dreg:$0x2] =	wrdreg s2  }
0xb0: {  	[dreg:$0x3] =	wrdreg s24  }
0xb1: {  	[dreg:$0x4] =	wrdreg s18  }
0xb2: {  	[dreg:$0x5] =	wrdreg $0x9  }
0xb3: {  	_ =	task.clear_ibuf [dreg:s8], $0x6FFFF;
	_ =	strace $0x90000046  }
0xb4: {  	s29 =	simm.s32 $0x9;
	_ =	strace $0x80000048  }
0xb5: {  	_ =	swait.ge [sflag:s29], $0x1  }
0xb6: {  	[sflag:s29] =	ssyncadd.s32 $0xFFFFFFFF  }
0xb7: {  	_ =	strace $0x90000048  }
0xb8: {  	_ =	sfence  }
0xb9: {  	s30 =	sld [smem:$0x0];
	_ =	sdelay $0x2  }
0xba: {  	s31 =	sshll.u32 s1, $0xD;
	s1 =	sshrl.u32 s1, $0x2  }
0xbb: {  	s3 =	sand.u32 $0x4000, s31;
	s1 =	sadd.s32 s1, s30  }
0xbc: {  	s0 =	sor.u32 s3, s0;
	s1 =	sshll.u32 s1, $0x11  }
0xbd: {  	s0 =	sor.u32 s1, s0  }
0xbe: {  	s0 =	sadd.s32 $0x8F2B, s0  }
0xbf: {  	[sflag:s0] =	ssyncadd.remote.s32 $0x1  }
0xc0: {  	_ =	sfence.sel $0xFFFF  }
0xc1: {  	[dreg:$0x0] =	wrdreg $0xFFFFFFFF;
	(pc) =	sbr.abs _section_cstart, $3  }
0xc2: {  	[dreg:$0x1] =	wrdreg $0xFFFFFFFF  }
0xc3: {  	_ =	task.clear_ibuf [dreg:s8], $0x2FFFF;
	_ =	strace $0x9FFFFFFF  }
0xc4: {  	(tm) =	ssettm $0x7FFFFFFF  }
0xc5: {  	_ =	shalt  }
tec
execute0_lowered:
.L_overlay_start_1:
0x0: {  	(tag) =	ssettag $0x1  }
0x1: {  	s1 =	rddreg [dreg:$0x0]  }
0x2: {  	s5 =	rddreg [dreg:$0x1]  }
0x3: {  	s7 =	rddreg [dreg:$0x2]  }
0x4: {  	s0 =	rddreg [dreg:$0x3]  }
0x5: {  	s3 =	simm.s32 $0x0;
	s4 =	srdreg.scid;
	s2 =	stileid.u32  }
0x6: {  	s12 =	simm.s32 $0x100;
	s13 =	simm.s32 $0x180;
	s14 =	simm.s32 $0x4180  }
0x7: {  	s15 =	simm.s32 $0x8180;
	s16 =	simm.s32 $0x1;
	s17 =	simm.s32 $0x2  }
0x8: {  	s18 =	simm.s32 $0x3;
	s19 =	simm.s32 $0xC180;
	s20 =	simm.s32 $0x4  }
0x9: {  	s21 =	simm.s32 $0x0;
	s6 =	sand.u32 $0x1, s4;
	s8 =	sshll.u32 s2, $0x1  }
0xa: {  	[smem:$0x7FF] =	sst s3;
	s4 =	sadd.s32 $0xE00, s5;
	s8 =	sor.u32 s6, s8  }
0xb: {  	_ =	strace $0x80000047;
	s6 =	ssub.s32 $0x2, s6;
	s9 =	sshll.u32 s8, $0x4  }
0xc: {  	v0 =	vlaneseq.u32;
	s8 =	sshll.u32 s8, $0xA;
	s31 =	sshrl.u32 s6, $0x1;
	s10 =	sadd.s32 s9, s5  }
0xd: {  	v0 =	vmul.u32 $0x80, v0;
	s8 =	sadd.s32 s8, s5;
	s11 =	ssub.s32 s6, s31;
	s7 =	sadd.s32 s7, s9  }
0xe: {  	s5 =	sadd.s32 $0xC00, s10;
	s6 =	sadd.s32 $0xA00, s10;
	s8 =	sadd.s32 $0x4E00, s8  }
0xf: {  	v1 =	vor.u32 $0x800, v0;
	v2 =	vor.u32 $0x1000, v0;
	v3 =	vor.u32 $0x1800, v0;
	s9 =	smax.u32 s11, $0x1;
	s10 =	simm.s32 $0x5;
	s11 =	simm.s32 $0x80  }
.LBB2_1:
0x10: {  	[tilespmem:s3], [sflag:$0x5] =	stream.linear.gather [hbm4b:s5+s3], $0x80, $0x38;
	[tilespmem:$0xE180] =	vst v63  }
0x11: {  	_ =	swait.ge [sflag:s10], $0x80  }
0x12: {  	[sflag:s10] =	ssyncset.done $0x0  }
0x13: {  	[sflag:s10] =	ssyncadd.s32 $0xFFFFFF80  }
0x14: {  	[tilespmem:s11], [sflag:$0x5] =	stream.linear.gather [hbm4b:s6+s3], $0x80, $0x38;
	[tilespmem:$0xE180] =	vst v63  }
0x15: {  	_ =	swait.ge [sflag:s10], $0x80  }
0x16: {  	[sflag:s10] =	ssyncset.done $0x0  }
0x17: {  	[sflag:s10] =	ssyncadd.s32 $0xFFFFFF80  }
0x18: {  	[tilespmem:s12], [sflag:$0x5] =	stream.linear.gather [hbm4b:s7+s3], $0x80, $0x38;
	[tilespmem:$0xE180] =	vst v63  }
0x19: {  	_ =	swait.ge [sflag:s10], $0x80  }
0x1a: {  	[sflag:s10] =	ssyncset.done $0x0  }
0x1b: {  	[sflag:s10] =	ssyncadd.s32 $0xFFFFFF80  }
0x1c: {  	[tilespmem:s13], [sflag:$0x1] =	stream.indirect.gather [hbm4b:s1+s11], $0x80, s3, s11, $0xb8;
	[tilespmem:$0xE180] =	vst v63  }
0x1d: {  	_ = 	snop  }
0x1e: {  	[tilespmem:s14], [sflag:$0x2] =	stream.indirect.gather [hbm4b:s1+s11], $0x80, s11, s11, $0xb8;
	[tilespmem:$0xE180] =	vst v63  }
0x1f: {  	_ = 	snop  }
0x20: {  	[tilespmem:s15], [sflag:$0x3] =	stream.indirect.gather [hbm4b:s4+s11], $0x80, s12, s11, $0xb8;
	[tilespmem:$0xE180] =	vst v63  }
0x21: {  	_ =	swait.ge [sflag:s16], $0x4000  }
0x22: {  	[sflag:s16] =	ssyncset.done $0x0  }
0x23: {  	[sflag:s16] =	ssyncadd.s32 $0xFFFFC000  }
0x24: {  	_ =	swait.ge [sflag:s17], $0x4000  }
0x25: {  	[sflag:s17] =	ssyncset.done $0x0  }
0x26: {  	[sflag:s17] =	ssyncadd.s32 $0xFFFFC000  }
0x27: {  	_ =	swait.ge [sflag:s18], $0x4000  }
0x28: {  	[sflag:s18] =	ssyncset.done $0x0  }
0x29: {  	s22 =	simm.s32 $0x0;
	[sflag:s18] =	ssyncadd.s32 $0xFFFFC000  }
.LBB2_2:
0x2a: {  	s24 =	sshll.u32 s22, $0x7  }
0x2b: {  	v4 =	vld [tilespmem:s24+$0x180]  }
0x2c: {  	v5 =	vld [tilespmem:s24+$0x1C0]  }
0x2d: {  	v6 =	vld [tilespmem:s24+$0x8180]  }
0x2e: {  	v7 =	vld [tilespmem:s24+$0x81C0];
	_ =	sdelay $0x3  }
0x2f: {  	v8 =	vld [tilespmem:s24+$0x4180]  }
0x30: {  	v9 =	vld [tilespmem:s24+$0x41C0];
	v10 =	vmul.f32 v6, v4;
	v11 =	vmul.f32 v7, v5  }
0x31: {  	v4 =	vmul.f32 v7, v4;
	v5 =	vmul.f32 v6, v5  }
0x32: {  	v44 =	vmov s22  }
0x33: {  	v45 =	vsub.f32 v10, v11;
	v4 =	vadd.f32 v4, v5;
	v5 =	vand.u32 $0x78, v44  }
0x34: {  	v5 =	vbroadcast v5, $0x0  }
0x35: {  	s23 =	sor.u32 $0x1, s22;
	v46 =	vsub.f32 v45, v8;
	v4 =	vsub.f32 v4, v9  }
0x36: {  	s25 =	sshll.u32 s23, $0x7;
	v47 =	vor.u32 v0, v5  }
0x37: {  	v49 =	vld [tilespmem:s25+$0x180];
	v6 =	vmul.f32 v46, v46;
	v4 =	vmul.f32 v4, v4  }
0x38: {  	v50 =	vld [tilespmem:s25+$0x1C0]  }
0x39: {  	v51 =	vld [tilespmem:s25+$0x8180];
	v4 =	vadd.f32 v4, v6  }
0x3a: {  	v52 =	vld [tilespmem:s25+$0x81C0]  }
0x3b: {  	v13 =	vld [tilespmem:s25+$0x4180];
	[tilespmem:v47+s19+$0x0] =	vst.idx.msk $0xffff, v4  }
0x3c: {  	v4 =	vld [tilespmem:s24+$0x190]  }
0x3d: {  	v48 =	vld [tilespmem:s24+$0x1D0]  }
0x3e: {  	v53 =	vld [tilespmem:s24+$0x8190]  }
0x3f: {  	v12 =	vld [tilespmem:s24+$0x81D0]  }
0x40: {  	v14 =	vld [tilespmem:s25+$0x41C0];
	v15 =	vmul.f32 v51, v49;
	v16 =	vmul.f32 v52, v50  }
0x41: {  	v7 =	vmul.f32 v52, v49;
	v8 =	vmul.f32 v51, v50  }
0x42: {  	v17 =	vmov s23;
	v15 =	vsub.f32 v15, v16  }
0x43: {  	s28 =	sor.u32 $0x2, s22;
	v56 =	vand.u32 $0x79, v17;
	v7 =	vadd.f32 v7, v8  }
0x44: {  	s26 =	sshll.u32 s28, $0x7;
	v58 =	vsub.f32 v15, v13;
	v54 =	vmul.f32 v53, v4;
	v55 =	vmul.f32 v12, v48  }
0x45: {  	v32 =	vld [tilespmem:s26+$0x180];
	v7 =	vsub.f32 v7, v14;
	v12 =	vmul.f32 v12, v4;
	v4 =	vbroadcast v56, $0x0  }
0x46: {  	v18 =	vld [tilespmem:s24+$0x4190]  }
0x47: {  	v8 =	vmul.f32 v58, v58;
	v7 =	vmul.f32 v7, v7;
	v57 =	vld [tilespmem:s24+$0x41D0];
	v59 =	vor.u32 v0, v4  }
0x48: {  	v34 =	vld [tilespmem:s26+$0x1C0];
	v6 =	vmul.f32 v53, v48  }
0x49: {  	s29 =	sor.u32 $0x3, s22;
	v35 =	vld [tilespmem:s26+$0x8180];
	v7 =	vadd.f32 v7, v8  }
0x4a: {  	s23 =	sshll.u32 s29, $0x7;
	v36 =	vld [tilespmem:s26+$0x81C0];
	v9 =	vsub.f32 v54, v55;
	v6 =	vadd.f32 v12, v6  }
0x4b: {  	v42 =	vld [tilespmem:s23+$0x1C0]  }
0x4c: {  	v44 =	vld [tilespmem:s23+$0x8180];
	v9 =	vsub.f32 v9, v18;
	v6 =	vsub.f32 v6, v57;
	[tilespmem:v59+s19+$0x0] =	vst.idx.msk $0xffff, v7  }
0x4d: {  	v60 =	vor.u32 v1, v5;
	v7 =	vld [tilespmem:s25+$0x190]  }
0x4e: {  	v9 =	vmul.f32 v9, v9;
	v6 =	vmul.f32 v6, v6;
	v61 =	vld [tilespmem:s25+$0x1D0]  }
0x4f: {  	v10 =	vld [tilespmem:s25+$0x8190]  }
0x50: {  	v6 =	vadd.f32 v6, v9;
	v62 =	vld [tilespmem:s25+$0x81D0]  }
0x51: {  	v28 =	vld [tilespmem:s25+$0x4190]  }
0x52: {  	v29 =	vld [tilespmem:s25+$0x41D0];
	[tilespmem:v60+s19+$0x0] =	vst.idx.msk $0xffff, v6  }
0x53: {  	v8 =	vld [tilespmem:s24+$0x1A0]  }
0x54: {  	v63 =	vld [tilespmem:s24+$0x1E0]  }
0x55: {  	v37 =	vld [tilespmem:s24+$0x81A0]  }
0x56: {  	v38 =	vld [tilespmem:s24+$0x81E0];
	v30 =	vmul.f32 v10, v7;
	v31 =	vmul.f32 v62, v61  }
0x57: {  	v6 =	vmul.f32 v62, v7;
	v33 =	vmul.f32 v10, v61  }
0x58: {  	v21 =	vld [tilespmem:s23+$0x180];
	v9 =	vmul.f32 v35, v34  }
0x59: {  	v45 =	vld [tilespmem:s23+$0x81C0];
	v7 =	vmul.f32 v36, v32;
	v14 =	vsub.f32 v30, v31;
	v6 =	vadd.f32 v6, v33  }
0x5a: {  	v10 =	vmul.f32 v44, v42;
	v48 =	vmul.f32 v37, v8  }
0x5b: {  	v46 =	vld [tilespmem:s24+$0x41A0];
	v49 =	vmul.f32 v38, v63;
	v12 =	vsub.f32 v14, v28;
	v6 =	vsub.f32 v6, v29  }
0x5c: {  	v41 =	vor.u32 v1, v4;
	v22 =	vld [tilespmem:s24+$0x41E0];
	v8 =	vmul.f32 v38, v8;
	v11 =	vmul.f32 v37, v63  }
0x5d: {  	v12 =	vmul.f32 v12, v12;
	v6 =	vmul.f32 v6, v6  }
0x5e: {  	v39 =	vld [tilespmem:s26+$0x4180];
	v7 =	vadd.f32 v7, v9;
	v9 =	vmul.f32 v45, v21;
	v56 =	vsub.f32 v48, v49  }
0x5f: {  	v43 =	vmov s28;
	v40 =	vld [tilespmem:s26+$0x41C0];
	v8 =	vadd.f32 v8, v11;
	v12 =	vadd.f32 v6, v12  }
0x60: {  	v23 =	vld [tilespmem:s23+$0x4180];
	v19 =	vmul.f32 v35, v32;
	v20 =	vmul.f32 v36, v34;
	v9 =	vadd.f32 v9, v10  }
0x61: {  	v24 =	vld [tilespmem:s23+$0x41C0];
	v10 =	vsub.f32 v56, v46;
	v8 =	vsub.f32 v8, v22;
	v6 =	vand.u32 $0x7A, v43;
	[tilespmem:v41+s19+$0x0] =	vst.idx.msk $0xffff, v12  }
0x62: {  	v19 =	vsub.f32 v19, v20;
	v30 =	vor.u32 v2, v5;
	v6 =	vbroadcast v6, $0x0;
	v18 =	vld [tilespmem:s25+$0x1A0]  }
0x63: {  	v10 =	vmul.f32 v10, v10;
	v8 =	vmul.f32 v8, v8;
	v27 =	vld [tilespmem:s25+$0x1E0]  }
0x64: {  	v25 =	vmul.f32 v44, v21;
	v47 =	vsub.f32 v19, v39;
	v7 =	vsub.f32 v7, v40;
	v51 =	vld [tilespmem:s25+$0x81A0]  }
0x65: {  	v26 =	vmul.f32 v45, v42;
	v50 =	vor.u32 v0, v6;
	v53 =	vld [tilespmem:s25+$0x81E0];
	v8 =	vadd.f32 v8, v10  }
0x66: {  	v7 =	vmul.f32 v7, v7;
	v12 =	vmul.f32 v47, v47;
	v62 =	vld [tilespmem:s25+$0x41A0]  }
0x67: {  	v63 =	vld [tilespmem:s25+$0x41E0];
	[tilespmem:v30+s19+$0x0] =	vst.idx.msk $0xffff, v8  }
0x68: {  	v54 =	vsub.f32 v25, v26;
	v7 =	vadd.f32 v7, v12;
	v26 =	vld [tilespmem:s24+$0x1F0]  }
0x69: {  	v52 =	vmov s29;
	v21 =	vld [tilespmem:s24+$0x41B0]  }
0x6a: {  	v55 =	vand.u32 $0x7B, v52;
	v9 =	vsub.f32 v9, v24;
	v24 =	vld [tilespmem:s24+$0x41F0];
	[tilespmem:v50+s19+$0x0] =	vst.idx.msk $0xffff, v7  }
0x6b: {  	v59 =	vsub.f32 v54, v23;
	v7 =	vbroadcast v55, $0x0;
	v57 =	vld [tilespmem:s26+$0x190]  }
0x6c: {  	v58 =	vld [tilespmem:s26+$0x1D0]  }
0x6d: {  	v14 =	vmul.f32 v59, v59;
	v9 =	vmul.f32 v9, v9;
	v60 =	vld [tilespmem:s26+$0x8190];
	v61 =	vor.u32 v0, v7  }
0x6e: {  	v31 =	vmul.f32 v51, v18;
	v32 =	vmul.f32 v53, v27;
	v19 =	vld [tilespmem:s26+$0x81D0]  }
0x6f: {  	v16 =	vmul.f32 v53, v18;
	v12 =	vmul.f32 v51, v27;
	v27 =	vld [tilespmem:s24+$0x1B0]  }
0x70: {  	v9 =	vadd.f32 v9, v14;
	v33 =	vld [tilespmem:s26+$0x4190];
	v41 =	vsub.f32 v31, v32  }
0x71: {  	v34 =	vld [tilespmem:s26+$0x41D0];
	v12 =	vadd.f32 v16, v12  }
0x72: {  	v31 =	vld [tilespmem:s24+$0x81B0];
	v46 =	vsub.f32 v41, v62;
	[tilespmem:v61+s19+$0x0] =	vst.idx.msk $0xffff, v9  }
0x73: {  	v12 =	vsub.f32 v12, v63;
	v35 =	vmul.f32 v60, v57;
	v36 =	vmul.f32 v19, v58;
	v37 =	vld [tilespmem:s23+$0x190]  }
0x74: {  	v47 =	vor.u32 v2, v4;
	v38 =	vmul.f32 v19, v57;
	v39 =	vmul.f32 v60, v58;
	v40 =	vld [tilespmem:s23+$0x1D0]  }
0x75: {  	v11 =	vmul.f32 v46, v46;
	v12 =	vmul.f32 v12, v12;
	v42 =	vld [tilespmem:s23+$0x8190]  }
0x76: {  	v43 =	vsub.f32 v35, v36;
	v45 =	vld [tilespmem:s23+$0x81D0]  }
0x77: {  	v44 =	vadd.f32 v38, v39;
	v49 =	vld [tilespmem:s23+$0x4190];
	v11 =	vadd.f32 v12, v11  }
0x78: {  	v50 =	vld [tilespmem:s23+$0x41D0]  }
0x79: {  	v8 =	vsub.f32 v43, v33;
	v9 =	vsub.f32 v44, v34;
	v33 =	vld [tilespmem:s24+$0x81F0];
	[tilespmem:v47+s19+$0x0] =	vst.idx.msk $0xffff, v11  }
0x7a: {  	s29 =	sor.u32 $0x4, s22;
	v48 =	vor.u32 v1, v6;
	v14 =	vld [tilespmem:s25+$0x1B0]  }
0x7b: {  	s24 =	sshll.u32 s29, $0x7;
	v15 =	vld [tilespmem:s25+$0x1F0];
	v8 =	vmul.f32 v8, v8;
	v9 =	vmul.f32 v9, v9  }
0x7c: {  	v63 =	vld [tilespmem:s24+$0x180]  }
0x7d: {  	v34 =	vld [tilespmem:s24+$0x1C0];
	v8 =	vadd.f32 v9, v8  }
0x7e: {  	v35 =	vld [tilespmem:s24+$0x8180]  }
0x7f: {  	v36 =	vld [tilespmem:s24+$0x81C0];
	[tilespmem:v48+s19+$0x0] =	vst.idx.msk $0xffff, v8  }
0x80: {  	v51 =	vmul.f32 v42, v37;
	v52 =	vmul.f32 v45, v40;
	v8 =	vld [tilespmem:s26+$0x1A0]  }
0x81: {  	v10 =	vmul.f32 v45, v37;
	v53 =	vmul.f32 v42, v40;
	v55 =	vld [tilespmem:s26+$0x1E0]  }
0x82: {  	v57 =	vld [tilespmem:s26+$0x81A0]  }
0x83: {  	v54 =	vsub.f32 v51, v52;
	v10 =	vadd.f32 v10, v53;
	v58 =	vld [tilespmem:s26+$0x81E0]  }
0x84: {  	v41 =	vld [tilespmem:s24+$0x4180]  }
0x85: {  	v23 =	vld [tilespmem:s25+$0x41B0];
	v9 =	vsub.f32 v54, v49;
	v10 =	vsub.f32 v10, v50  }
0x86: {  	v19 =	vld [tilespmem:s25+$0x41F0];
	v29 =	vmul.f32 v35, v63;
	v30 =	vmul.f32 v36, v34  }
0x87: {  	v56 =	vor.u32 v1, v7;
	v59 =	vld [tilespmem:s26+$0x41A0];
	v9 =	vmul.f32 v9, v9;
	v10 =	vmul.f32 v10, v10  }
0x88: {  	v60 =	vld [tilespmem:s26+$0x41E0];
	v61 =	vmul.f32 v57, v8;
	v62 =	vmul.f32 v58, v55  }
0x89: {  	v28 =	vld [tilespmem:s25+$0x81B0];
	v8 =	vmul.f32 v58, v8;
	v11 =	vmul.f32 v57, v55  }
0x8a: {  	v43 =	vmov s29;
	s29 =	sor.u32 $0x6, s22;
	v32 =	vld [tilespmem:s25+$0x81F0];
	v44 =	vsub.f32 v29, v30;
	v9 =	vadd.f32 v10, v9  }
0x8b: {  	s25 =	sshll.u32 s29, $0x7;
	v42 =	vld [tilespmem:s24+$0x41C0];
	v12 =	vsub.f32 v61, v62;
	v8 =	vadd.f32 v8, v11  }
0x8c: {  	v16 =	vsub.f32 v44, v41;
	v41 =	vld [tilespmem:s25+$0x180];
	[tilespmem:v56+s19+$0x0] =	vst.idx.msk $0xffff, v9  }
0x8d: {  	v9 =	vld [tilespmem:s23+$0x1A0];
	v10 =	vsub.f32 v12, v59;
	v8 =	vsub.f32 v8, v60  }
0x8e: {  	v40 =	vor.u32 v2, v6;
	v37 =	vld [tilespmem:s23+$0x1E0]  }
0x8f: {  	v38 =	vld [tilespmem:s23+$0x81A0];
	v10 =	vmul.f32 v10, v10;
	v8 =	vmul.f32 v8, v8  }
0x90: {  	v13 =	vmul.f32 v35, v34;
	v39 =	vld [tilespmem:s23+$0x81E0];
	v11 =	vmul.f32 v36, v63  }
0x91: {  	s30 =	sor.u32 $0x5, s22;
	v45 =	vld [tilespmem:s23+$0x41A0];
	v8 =	vadd.f32 v8, v10  }
0x92: {  	s28 =	sshll.u32 s30, $0x7;
	v47 =	vld [tilespmem:s23+$0x41E0];
	v11 =	vadd.f32 v11, v13;
	v10 =	vand.u32 $0x7C, v43  }
0x93: {  	v36 =	vld [tilespmem:s28+$0x180];
	[tilespmem:v40+s19+$0x0] =	vst.idx.msk $0xffff, v8;
	v8 =	vbroadcast v10, $0x0  }
0x94: {  	v61 =	vld [tilespmem:s28+$0x4180];
	v11 =	vsub.f32 v11, v42  }
0x95: {  	v63 =	vld [tilespmem:s25+$0x1C0];
	v49 =	vor.u32 v0, v8  }
0x96: {  	v16 =	vmul.f32 v16, v16;
	v59 =	vld [tilespmem:s28+$0x1C0];
	v50 =	vmul.f32 v11, v11  }
0x97: {  	v60 =	vld [tilespmem:s28+$0x81C0];
	v46 =	vmul.f32 v38, v9  }
0x98: {  	v48 =	vmul.f32 v39, v37;
	v12 =	vmul.f32 v38, v37;
	v37 =	vld [tilespmem:s28+$0x8180];
	v51 =	vadd.f32 v50, v16  }
0x99: {  	v38 =	vld [tilespmem:s28+$0x41C0]  }
0x9a: {  	v20 =	vsub.f32 v46, v48;
	v48 =	vld [tilespmem:s25+$0x8180];
	[tilespmem:v49+s19+$0x0] =	vst.idx.msk $0xffff, v51  }
0x9b: {  	v17 =	vld [tilespmem:s24+$0x190]  }
0x9c: {  	v9 =	vmul.f32 v39, v9;
	v54 =	vld [tilespmem:s24+$0x1D0]  }
0x9d: {  	v55 =	vld [tilespmem:s24+$0x8190]  }
0x9e: {  	v9 =	vadd.f32 v9, v12;
	v56 =	vld [tilespmem:s24+$0x81D0]  }
0x9f: {  	v30 =	vld [tilespmem:s26+$0x1B0]  }
0xa0: {  	v22 =	vld [tilespmem:s26+$0x1F0];
	v13 =	vsub.f32 v20, v45;
	v9 =	vsub.f32 v9, v47  }
0xa1: {  	v11 =	vld [tilespmem:s26+$0x41B0]  }
0xa2: {  	v53 =	vmul.f32 v13, v13;
	v9 =	vmul.f32 v9, v9;
	v57 =	vld [tilespmem:s24+$0x4190]  }
0xa3: {  	v52 =	vor.u32 v2, v7;
	v58 =	vld [tilespmem:s24+$0x41D0];
	v34 =	vmul.f32 v55, v17;
	v35 =	vmul.f32 v56, v54  }
0xa4: {  	v10 =	vld [tilespmem:s26+$0x41F0];
	v17 =	vmul.f32 v56, v17;
	v12 =	vmul.f32 v55, v54  }
0xa5: {  	v25 =	vld [tilespmem:s26+$0x81B0];
	v47 =	vmov s30;
	s30 =	sor.u32 $0x7, s22;
	v9 =	vadd.f32 v9, v53  }
0xa6: {  	v29 =	vld [tilespmem:s26+$0x81F0];
	s31 =	sshll.u32 s30, $0x7;
	v34 =	vsub.f32 v34, v35;
	v12 =	vadd.f32 v17, v12  }
0xa7: {  	v40 =	vmul.f32 v60, v59;
	v20 =	vmul.f32 v37, v59;
	v44 =	vld [tilespmem:s31+$0x180]  }
0xa8: {  	v59 =	vld [tilespmem:s31+$0x81C0];
	[tilespmem:v52+s19+$0x0] =	vst.idx.msk $0xffff, v9;
	v9 =	vsub.f32 v34, v57;
	v12 =	vsub.f32 v12, v58  }
0xa9: {  	v62 =	vor.u32 v1, v8;
	v45 =	vld [tilespmem:s31+$0x41C0]  }
0xaa: {  	v53 =	vld [tilespmem:s25+$0x4180];
	v9 =	vmul.f32 v9, v9;
	v12 =	vmul.f32 v12, v12  }
0xab: {  	v39 =	vmul.f32 v37, v36;
	v49 =	vld [tilespmem:s25+$0x81C0];
	v35 =	vmul.f32 v60, v36  }
0xac: {  	v13 =	vld [tilespmem:s23+$0x1B0];
	v9 =	vadd.f32 v12, v9  }
0xad: {  	v39 =	vsub.f32 v39, v40;
	v18 =	vld [tilespmem:s23+$0x1F0];
	v35 =	vadd.f32 v35, v20;
	v12 =	vand.u32 $0x7D, v47  }
0xae: {  	v54 =	vld [tilespmem:s25+$0x41C0];
	[tilespmem:v62+s19+$0x0] =	vst.idx.msk $0xffff, v9;
	v9 =	vbroadcast v12, $0x0  }
0xaf: {  	v50 =	vsub.f32 v39, v61;
	v56 =	vld [tilespmem:s31+$0x1C0];
	v51 =	vsub.f32 v35, v38  }
0xb0: {  	v42 =	vmul.f32 v48, v41;
	v43 =	vmul.f32 v49, v63;
	v57 =	vld [tilespmem:s31+$0x8180];
	v52 =	vor.u32 v0, v9  }
0xb1: {  	v17 =	vld [tilespmem:s23+$0x41B0];
	v16 =	vmul.f32 v51, v51;
	v12 =	vmul.f32 v50, v50  }
0xb2: {  	v55 =	vmul.f32 v49, v41;
	v36 =	vmul.f32 v48, v63;
	v60 =	vmov s29;
	v20 =	vld [tilespmem:s23+$0x41F0]  }
0xb3: {  	v61 =	vand.u32 $0x7E, v60;
	v62 =	vld [tilespmem:s31+$0x4180];
	v12 =	vadd.f32 v16, v12  }
0xb4: {  	v58 =	vsub.f32 v42, v43;
	v35 =	vmul.f32 v59, v44;
	v34 =	vld [tilespmem:s24+$0x1A0];
	v16 =	vadd.f32 v55, v36  }
0xb5: {  	v46 =	vmul.f32 v57, v44;
	v44 =	vld [tilespmem:s24+$0x1E0];
	[tilespmem:v52+s19+$0x0] =	vst.idx.msk $0xffff, v12;
	v12 =	vbroadcast v61, $0x0  }
0xb6: {  	v38 =	vsub.f32 v58, v53;
	v16 =	vsub.f32 v16, v54;
	v41 =	vld [tilespmem:s28+$0x190]  }
0xb7: {  	v37 =	vmul.f32 v57, v56;
	v42 =	vld [tilespmem:s28+$0x1D0];
	v63 =	vor.u32 v0, v12  }
0xb8: {  	v38 =	vmul.f32 v38, v38;
	v16 =	vmul.f32 v16, v16;
	v36 =	vld [tilespmem:s28+$0x8190]  }
0xb9: {  	v47 =	vmul.f32 v59, v56;
	v35 =	vadd.f32 v35, v37;
	v48 =	vld [tilespmem:s28+$0x81D0]  }
0xba: {  	v49 =	vld [tilespmem:s24+$0x41A0];
	v52 =	vmov s30;
	v38 =	vadd.f32 v16, v38  }
0xbb: {  	v46 =	vsub.f32 v46, v47;
	v35 =	vsub.f32 v35, v45;
	v53 =	vand.u32 $0x7F, v52;
	v54 =	vld [tilespmem:s28+$0x4190]  }
0xbc: {  	v55 =	vld [tilespmem:s28+$0x41D0];
	v16 =	vbroadcast v53, $0x0;
	[tilespmem:v63+s19+$0x0] =	vst.idx.msk $0xffff, v38  }
0xbd: {  	v56 =	vsub.f32 v46, v62;
	v35 =	vmul.f32 v35, v35;
	v57 =	vmul.f32 v36, v41;
	v59 =	vld [tilespmem:s25+$0x190]  }
0xbe: {  	v60 =	vor.u32 v0, v16;
	v58 =	vmul.f32 v48, v42;
	v41 =	vmul.f32 v48, v41;
	v61 =	vld [tilespmem:s25+$0x1D0]  }
0xbf: {  	v36 =	vmul.f32 v36, v42;
	v38 =	vmul.f32 v56, v56;
	v42 =	vld [tilespmem:s25+$0x4190]  }
0xc0: {  	v39 =	vsub.f32 v57, v58;
	v62 =	vld [tilespmem:s25+$0x8190]  }
0xc1: {  	v63 =	vmul.f32 v31, v27;
	v36 =	vadd.f32 v41, v36;
	v48 =	vld [tilespmem:s25+$0x81D0];
	v35 =	vadd.f32 v35, v38  }
0xc2: {  	v5 =	vor.u32 v3, v5;
	v27 =	vmul.f32 v33, v27;
	v33 =	vmul.f32 v33, v26;
	v50 =	vld [tilespmem:s25+$0x41D0]  }
0xc3: {  	v51 =	vsub.f32 v39, v54;
	v36 =	vsub.f32 v36, v55;
	[tilespmem:v60+s19+$0x0] =	vst.idx.msk $0xffff, v35;
	v60 =	vld [tilespmem:s24+$0x81A0]  }
0xc4: {  	v4 =	vor.u32 v3, v4;
	v26 =	vmul.f32 v31, v26;
	v33 =	vsub.f32 v63, v33;
	v52 =	vld [tilespmem:s31+$0x190]  }
0xc5: {  	v54 =	vor.u32 v1, v9;
	v53 =	vld [tilespmem:s31+$0x1D0];
	v35 =	vmul.f32 v51, v51;
	v36 =	vmul.f32 v36, v36  }
0xc6: {  	v26 =	vadd.f32 v27, v26;
	v55 =	vld [tilespmem:s31+$0x8190];
	v56 =	vmul.f32 v62, v59;
	v57 =	vmul.f32 v48, v61  }
0xc7: {  	v21 =	vsub.f32 v33, v21;
	v46 =	vld [tilespmem:s31+$0x81D0];
	v58 =	vmul.f32 v48, v59;
	v59 =	vmul.f32 v62, v61  }
0xc8: {  	v7 =	vor.u32 v3, v7;
	v43 =	vld [tilespmem:s24+$0x41E0];
	v24 =	vsub.f32 v26, v24;
	v35 =	vadd.f32 v36, v35  }
0xc9: {  	v45 =	vor.u32 v2, v9;
	v63 =	vld [tilespmem:s31+$0x41D0];
	v33 =	vsub.f32 v56, v57;
	v26 =	vadd.f32 v58, v59  }
0xca: {  	v21 =	vmul.f32 v21, v21;
	v61 =	vld [tilespmem:s24+$0x81E0];
	[tilespmem:v54+s19+$0x0] =	vst.idx.msk $0xffff, v35;
	v36 =	vmul.f32 v60, v44  }
0xcb: {  	v62 =	vld [tilespmem:s31+$0x4190];
	v33 =	vsub.f32 v33, v42;
	v26 =	vsub.f32 v26, v50;
	v48 =	vmul.f32 v55, v52  }
0xcc: {  	v51 =	vor.u32 v1, v12;
	v50 =	vmul.f32 v46, v53;
	v42 =	vld [tilespmem:s28+$0x1A0];
	v37 =	vmul.f32 v46, v52  }
0xcd: {  	v9 =	vor.u32 v3, v9;
	v39 =	vld [tilespmem:s28+$0x1E0];
	v33 =	vmul.f32 v33, v33;
	v26 =	vmul.f32 v26, v26  }
0xce: {  	v57 =	vor.u32 v1, v16;
	v27 =	vmul.f32 v55, v53;
	v52 =	vmul.f32 v60, v34;
	v54 =	vld [tilespmem:s28+$0x81A0]  }
0xcf: {  	v53 =	vmul.f32 v28, v14;
	v56 =	vld [tilespmem:s28+$0x81E0];
	v40 =	vmul.f32 v61, v44;
	v26 =	vadd.f32 v26, v33  }
0xd0: {  	v55 =	vmul.f32 v32, v15;
	v34 =	vmul.f32 v61, v34;
	v44 =	vld [tilespmem:s28+$0x41E0];
	v38 =	vsub.f32 v48, v50  }
0xd1: {  	v27 =	vadd.f32 v37, v27;
	v37 =	vld [tilespmem:s28+$0x41A0];
	v59 =	vsub.f32 v52, v40;
	[tilespmem:v51+s19+$0x0] =	vst.idx.msk $0xffff, v26  }
0xd2: {  	v14 =	vmul.f32 v32, v14;
	v61 =	vadd.f32 v34, v36;
	v35 =	vsub.f32 v38, v62;
	v58 =	vld [tilespmem:s25+$0x1A0]  }
0xd3: {  	v15 =	vmul.f32 v28, v15;
	v27 =	vsub.f32 v27, v63;
	v32 =	vsub.f32 v59, v49;
	v60 =	vld [tilespmem:s25+$0x1E0]  }
0xd4: {  	v28 =	vsub.f32 v61, v43;
	v47 =	vmul.f32 v54, v42;
	v48 =	vmul.f32 v56, v39;
	v62 =	vld [tilespmem:s25+$0x81A0]  }
0xd5: {  	v31 =	vsub.f32 v53, v55;
	v35 =	vmul.f32 v35, v35;
	v27 =	vmul.f32 v27, v27;
	v63 =	vld [tilespmem:s25+$0x81E0]  }
0xd6: {  	v14 =	vadd.f32 v14, v15;
	v46 =	vld [tilespmem:s25+$0x41A0];
	v32 =	vmul.f32 v32, v32;
	v28 =	vmul.f32 v28, v28  }
0xd7: {  	v24 =	vmul.f32 v24, v24;
	v15 =	vsub.f32 v47, v48;
	v59 =	vld [tilespmem:s25+$0x41E0];
	v27 =	vadd.f32 v27, v35  }
0xd8: {  	v50 =	vor.u32 v2, v8;
	v23 =	vsub.f32 v31, v23;
	v28 =	vadd.f32 v28, v32;
	v32 =	vld [tilespmem:s23+$0x81B0]  }
0xd9: {  	v31 =	vmul.f32 v25, v30;
	v15 =	vsub.f32 v15, v37;
	v37 =	vld [tilespmem:s23+$0x81F0];
	[tilespmem:v57+s19+$0x0] =	vst.idx.msk $0xffff, v27  }
0xda: {  	v21 =	vadd.f32 v24, v21;
	v30 =	vmul.f32 v29, v30;
	v29 =	vmul.f32 v29, v22;
	v49 =	vld [tilespmem:s31+$0x1A0]  }
0xdb: {  	v14 =	vsub.f32 v14, v19;
	v52 =	vmul.f32 v54, v39;
	v26 =	vmul.f32 v56, v42;
	v51 =	vld [tilespmem:s31+$0x1E0]  }
0xdc: {  	[tilespmem:v5+s19+$0x0] =	vst.idx.msk $0xffff, v21;
	v22 =	vmul.f32 v25, v22;
	v5 =	vsub.f32 v31, v29;
	v53 =	vld [tilespmem:s31+$0x81A0]  }
0xdd: {  	v23 =	vmul.f32 v23, v23;
	v14 =	vmul.f32 v14, v14;
	v57 =	vadd.f32 v26, v52;
	v56 =	vld [tilespmem:s31+$0x81E0]  }
0xde: {  	[tilespmem:v50+s19+$0x0] =	vst.idx.msk $0xffff, v28;
	v61 =	vld [tilespmem:s31+$0x41E0];
	v54 =	vmul.f32 v62, v58;
	v55 =	vmul.f32 v63, v60  }
0xdf: {  	v24 =	vmul.f32 v63, v58;
	v58 =	vmul.f32 v62, v60;
	v25 =	vsub.f32 v57, v44;
	v60 =	vld [tilespmem:s31+$0x41A0]  }
0xe0: {  	v8 =	vor.u32 v3, v8;
	v5 =	vsub.f32 v5, v11;
	v14 =	vadd.f32 v14, v23;
	v35 =	vld [tilespmem:s24+$0x1B0]  }
0xe1: {  	v15 =	vmul.f32 v15, v15;
	v48 =	vld [tilespmem:s24+$0x41B0];
	v19 =	vsub.f32 v54, v55;
	v25 =	vmul.f32 v25, v25  }
0xe2: {  	v5 =	vmul.f32 v5, v5;
	[tilespmem:v4+s19+$0x0] =	vst.idx.msk $0xffff, v14;
	v52 =	vld [tilespmem:s24+$0x81F0];
	v24 =	vadd.f32 v24, v58  }
0xe3: {  	v19 =	vsub.f32 v19, v46;
	v62 =	vmul.f32 v53, v49;
	v46 =	vld [tilespmem:s24+$0x1F0];
	v15 =	vadd.f32 v25, v15  }
0xe4: {  	v50 =	vor.u32 v2, v12;
	v63 =	vmul.f32 v56, v51;
	v44 =	vmul.f32 v56, v49;
	v49 =	vld [tilespmem:s24+$0x41F0]  }
0xe5: {  	v38 =	vmul.f32 v53, v51;
	v24 =	vsub.f32 v24, v59;
	v51 =	vld [tilespmem:s24+$0x81B0];
	[tilespmem:v45+s19+$0x0] =	vst.idx.msk $0xffff, v15  }
0xe6: {  	v12 =	vor.u32 v3, v12;
	v47 =	vmul.f32 v32, v13;
	v33 =	vsub.f32 v62, v63;
	v55 =	vld [tilespmem:s28+$0x1B0]  }
0xe7: {  	v36 =	vadd.f32 v44, v38;
	v19 =	vmul.f32 v19, v19;
	v24 =	vmul.f32 v24, v24;
	v57 =	vld [tilespmem:s28+$0x1F0]  }
0xe8: {  	v53 =	vmul.f32 v37, v18;
	v56 =	vadd.f32 v30, v22;
	v59 =	vld [tilespmem:s28+$0x41B0];
	v28 =	vsub.f32 v33, v60  }
0xe9: {  	v54 =	vor.u32 v2, v16;
	v62 =	vld [tilespmem:s28+$0x41F0];
	v26 =	vsub.f32 v36, v61;
	v19 =	vadd.f32 v24, v19  }
0xea: {  	v15 =	vsub.f32 v47, v53;
	v10 =	vsub.f32 v56, v10;
	v63 =	vld [tilespmem:s28+$0x81B0];
	v61 =	vmul.f32 v32, v18  }
0xeb: {  	v32 =	vld [tilespmem:s28+$0x81F0];
	v28 =	vmul.f32 v28, v28;
	v26 =	vmul.f32 v26, v26;
	[tilespmem:v50+s19+$0x0] =	vst.idx.msk $0xffff, v19  }
0xec: {  	v60 =	vmul.f32 v37, v13;
	v15 =	vsub.f32 v15, v17;
	v10 =	vmul.f32 v10, v10;
	v39 =	vld [tilespmem:s25+$0x1B0]  }
0xed: {  	v34 =	vmul.f32 v51, v35;
	v36 =	vmul.f32 v52, v46;
	v40 =	vld [tilespmem:s25+$0x1F0];
	v58 =	vadd.f32 v26, v28  }
0xee: {  	v35 =	vmul.f32 v52, v35;
	v37 =	vmul.f32 v51, v46;
	v11 =	vadd.f32 v60, v61;
	v41 =	vld [tilespmem:s25+$0x81B0]  }
0xef: {  	v4 =	vadd.f32 v10, v5;
	v13 =	vsub.f32 v34, v36;
	v42 =	vld [tilespmem:s25+$0x81F0];
	[tilespmem:v54+s19+$0x0] =	vst.idx.msk $0xffff, v58  }
0xf0: {  	v15 =	vmul.f32 v15, v15;
	v21 =	vadd.f32 v35, v37;
	v11 =	vsub.f32 v11, v20;
	v43 =	vld [tilespmem:s31+$0x1B0]  }
0xf1: {  	v5 =	vor.u32 v3, v6;
	v17 =	vmul.f32 v63, v57;
	v13 =	vsub.f32 v13, v48;
	v44 =	vld [tilespmem:s31+$0x81B0]  }
0xf2: {  	v21 =	vsub.f32 v21, v49;
	v49 =	vmul.f32 v63, v55;
	v11 =	vmul.f32 v11, v11;
	v48 =	vld [tilespmem:s31+$0x81F0]  }
0xf3: {  	v50 =	vmul.f32 v32, v57;
	v52 =	vmul.f32 v32, v55;
	v63 =	vor.u32 v3, v16;
	v51 =	vld [tilespmem:s31+$0x1F0]  }
0xf4: {  	v53 =	vld [tilespmem:s25+$0x41B0];
	v46 =	vmul.f32 v13, v13;
	v47 =	vmul.f32 v21, v21;
	v45 =	vadd.f32 v11, v15  }
0xf5: {  	v54 =	vld [tilespmem:s25+$0x41F0];
	v15 =	vsub.f32 v49, v50;
	v55 =	vmul.f32 v41, v39;
	v56 =	vmul.f32 v42, v40  }
0xf6: {  	v13 =	vadd.f32 v52, v17;
	v58 =	vld [tilespmem:s31+$0x41B0];
	v57 =	vmul.f32 v42, v39;
	v20 =	vmul.f32 v41, v40  }
0xf7: {  	v15 =	vsub.f32 v15, v59;
	v59 =	vld [tilespmem:s31+$0x41F0];
	v60 =	vmul.f32 v44, v43;
	v27 =	vmul.f32 v48, v43  }
0xf8: {  	v13 =	vsub.f32 v13, v62;
	v14 =	vmul.f32 v48, v51;
	v6 =	vmul.f32 v44, v51  }
0xf9: {  	[tilespmem:v5+s19+$0x0] =	vst.idx.msk $0xffff, v4;
	v4 =	vsub.f32 v55, v56;
	v5 =	vadd.f32 v57, v20  }
0xfa: {  	[tilespmem:v7+s19+$0x0] =	vst.idx.msk $0xffff, v45;
	v61 =	vsub.f32 v60, v14;
	v6 =	vadd.f32 v27, v6  }
0xfb: {  	v13 =	vmul.f32 v13, v13;
	v4 =	vsub.f32 v4, v53;
	v5 =	vsub.f32 v5, v54  }
0xfc: {  	v62 =	vmul.f32 v15, v15;
	v7 =	vsub.f32 v61, v58;
	v6 =	vsub.f32 v6, v59  }
0xfd: {  	p0 =	slt.u32 s22, $0x78;
	v11 =	vadd.f32 v47, v46;
	v4 =	vmul.f32 v4, v4;
	v5 =	vmul.f32 v5, v5  }
.Ltmp0:
0xfe: {  	v10 =	vadd.f32 v13, v62;
	v7 =	vmul.f32 v7, v7;
	v6 =	vmul.f32 v6, v6;
	(pc) =	sbr.rel @p0 .LBB2_2-.Ltmp0, $4  }
0xff: {  	[tilespmem:v8+s19+$0x0] =	vst.idx.msk $0xffff, v11;
	v4 =	vadd.f32 v5, v4  }
0x100: {  	[tilespmem:v9+s19+$0x0] =	vst.idx.msk $0xffff, v10;
	v5 =	vadd.f32 v6, v7  }
0x101: {  	s31 =	sadd.s32 $0x8, s22;
	[tilespmem:v12+s19+$0x0] =	vst.idx.msk $0xffff, v4  }
0x102: {  	s22 =	smov.u32 s31;
	[tilespmem:v63+s19+$0x0] =	vst.idx.msk $0xffff, v5  }
0x103: {  	s21 =	sadd.s32 $0x1, s21  }
0x104: {  	p0 =	sne.s32 s21, s9  }
.Ltmp1:
0x105: {  	_ = 	snop;
	(pc) =	sbr.rel @p0 .LBB2_1-.Ltmp1, $4  }
0x106: {  	[hbm4b:s8+s3] =	stream.linear.scatter [tilespmem:s19], [sflag:$0x4], $0x2000, $0x38;
	[tilespmem:$0xE180] =	vst v63  }
0x107: {  	_ =	swait.ge [sflag:s20], $0x2000  }
0x108: {  	[sflag:s20] =	ssyncset.done $0x0  }
0x109: {  	[sflag:s20] =	ssyncadd.s32 $0xFFFFE000  }
0x10a: {  	_ =	sfence.sel $0x180000  }
0x10b: {  	[bflag:$0x0] =	sbarrier.arrive $0xFFFF  }
0x10c: {  	p0 =	sne.s32 s2, $0x0;
	_ =	strace $0x90000047  }
0x10d: {  	s0 =	sadd.s32 @!p0 $0x100000, s0;
	[bflag:$0x2] =	sbarrier.arrive $0xFFFF  }
0x10e: {  	[sflag:s0] =	ssyncadd.tile.s32 @!p0 $0x1;
	_ =	shalt  }
.Lfunc_end2:
_tile_overlayer_lowered:
.L_overlay_start_2:
0x10f: {  	(tag) =	ssettag $0x2  }
0x110: {  	s0 =	rddreg [dreg:$0x0];
	s2 =	stileid.u32  }
0x111: {  	s1 =	rddreg [dreg:$0x1];
	p0 =	sne.s32 s2, $0x0  }
0x112: {  	s3 =	rddreg [dreg:$0x2];
	[bflag:$0x3] =	sbarrier.arrive $0xFFFF;
	s2 =	simm.s32 @!p0 $0x1C05  }
0x113: {  	[timem:s3], [sflag:s2] =	dma.local @!p0 [hbm:s0], s1  }
0x114: {  	s0 =	simm.s32 @!p0 $0x5  }
0x115: {  	_ =	swait.ge @!p0 [sflag:s0], s1  }
0x116: {  	s1 =	ssub.s32 @!p0 $0x0, s1;
	[sflag:s0] =	ssyncset.done @!p0 $0x0  }
0x117: {  	[sflag:s0] =	ssyncadd.s32 @!p0 s1  }
0x118: {  	[bflag:$0x3] =	sbarrier.arrive $0xFFFF  }
0x119: {  	_ =	shalt  }

</sc_bundles>
